<compile_context>
chip_gen: v7x
topology: tpu7x:2x2x1
jax: 0.10.2.dev20260603
libtpu: 0.0.44.dev20260713+nightly
codegen_flags: <defaults>
</compile_context>

<pallas_src>
import jax
import jax.numpy as jnp
from jax import lax
from jax.experimental import pallas as pl
from jax.experimental.pallas import tpu as pltpu
from jax.experimental.pallas import tpu_sc as plsc

B = 16384
V = 100000
EMB = 16
CB_SIZE = 32
CB_DIM = 8

_NC = 2
_NS = 16
_NW = _NC * _NS
_BPW = B // _NW
_GPW = _BPW * EMB


def _sc_gather_body(tab, idx, out, iv, gi, gb, s0, s1):
    wid = lax.axis_index("s") * _NC + lax.axis_index("c")
    base = wid * _BPW
    pltpu.sync_copy(idx.at[pl.ds(base, _BPW)], iv)

    def expand(c, _):
        b16 = c * 16
        v = iv[pl.ds(b16, 16)]
        for d in range(EMB):
            off = jnp.full((16,), d * V, jnp.int32)
            gi[pl.ds(d * _BPW + b16, 16)] = v + off
        return 0

    lax.fori_loop(0, _BPW // 16, expand, 0)

    _H = _GPW // 2
    lo = pl.ds(0, _H)
    hi = pl.ds(_H, _H)
    c0 = pltpu.async_copy(tab.at[gi.at[lo]], gb.at[lo], s0)
    c1 = pltpu.async_copy(tab.at[gi.at[hi]], gb.at[hi], s1)
    c0.wait()
    c1.wait()

    def wb(d, do_start):
        g = pltpu.make_async_copy(gb.at[pl.ds(d * _BPW, _BPW)],
                                  out.at[d, pl.ds(base, _BPW)],
                                  s0 if d % 2 == 0 else s1)
        if do_start:
            g.start()
        else:
            g.wait()

    for d in range(EMB):
        wb(d, True)
    for d in range(EMB):
        wb(d, False)


@jax.jit
def _sc_gather(tab, idx):
    mesh = plsc.VectorSubcoreMesh(core_axis_name="c", subcore_axis_name="s")
    out = jax.ShapeDtypeStruct((EMB, B), jnp.float32)
    run = pl.kernel(
        _sc_gather_body,
        mesh=mesh,
        compiler_params=pltpu.CompilerParams(use_tc_tiling_on_sc=False),
        out_type=out,
        scratch_types=[
            pltpu.VMEM((_BPW,), jnp.int32),
            pltpu.VMEM((_GPW,), jnp.int32),
            pltpu.VMEM((_GPW,), jnp.float32),
            pltpu.SemaphoreType.DMA,
            pltpu.SemaphoreType.DMA,
        ],
    )
    return run(tab, idx)



_BLK = 16384
_NBLK = B // _BLK


def _dense_body(item_ref, brand_ref, cate_ref, count_ref, noise_ref,
                cb_ref,
                me_w1, me_b1, me_w2, me_b2,
                lv_w1, lv_b1, lv_w2, lv_b2,
                mp_w1, mp_b1, mp_w2, mp_b2,
                lp_w1, lp_b1, lp_w2, lp_b2,
                dec_w1, dec_b1, dec_w2, dec_b2,
                head_w, head_b,
                recon_ref, reg_ref, target_ref, vq_ref, perp_ref,
                counts_ref):
    f32 = jnp.float32
    step = pl.program_id(0)
    item = item_ref[...]
    brand = brand_ref[...]
    cate = cate_ref[...]
    noise = noise_ref[...]
    count = count_ref[...]

    def tmat(w, x):
        return lax.dot_general(w[...], x, (((0,), (0,)), ((), ())),
                               preferred_element_type=f32)

    def col(b):
        return b[...].reshape(-1, 1)

    def mlp2(x, w1, b1, w2, b2):
        h = jnp.maximum(tmat(w1, x) + col(b1), 0.0)
        return tmat(w2, h) + col(b2)

    mean = mlp2(item, me_w1, me_b1, me_w2, me_b2)
    log_v = mlp2(item, lv_w1, lv_b1, lv_w2, lv_b2)

    def mlp2_side(w1, b1, w2, b2):
        h = (lax.dot_general(w1[pl.ds(0, EMB), :], brand,
                             (((0,), (0,)), ((), ())),
                             preferred_element_type=f32)
             + lax.dot_general(w1[pl.ds(EMB, EMB), :], cate,
                               (((0,), (0,)), ((), ())),
                               preferred_element_type=f32)
             + col(b1))
        h = jnp.maximum(h, 0.0)
        return tmat(w2, h) + col(b2)

    mean_p = mlp2_side(mp_w1, mp_b1, mp_w2, mp_b2)
    log_v_p = mlp2_side(lp_w1, lp_b1, lp_w2, lp_b2)

    p1 = jnp.sum(jnp.square(mean - mean_p), axis=0)
    p2 = jnp.sum(jnp.square(jnp.exp(log_v * 0.5) - jnp.exp(log_v_p * 0.5)),
                 axis=0)
    reg_part = jnp.reshape(jnp.sum(p1 + p2), (1, 1))

    z = mean + jnp.exp(log_v * 0.5) * noise

    cb = cb_ref[...]
    cb2 = jnp.sum(cb * cb, axis=1).reshape(-1, 1)
    score = cb2 - 2.0 * jnp.dot(cb, z, preferred_element_type=f32)
    m = jnp.min(score, axis=0, keepdims=True)
    iota = lax.broadcasted_iota(jnp.int32, score.shape, 0)
    idx = jnp.min(jnp.where(score == m, iota, CB_SIZE), axis=0,
                  keepdims=True)
    one_hot = (iota == idx).astype(f32)
    z_q = tmat(cb_ref, one_hot)

    vq_part = jnp.reshape(jnp.sum(jnp.square(z_q - z)), (1, 1))
    counts_part = jnp.sum(one_hot, axis=1).reshape(-1, 1)

    h = (tmat(dec_w1.at[pl.ds(0, CB_DIM), :], z)
         + col(dec_w1.at[CB_DIM]) * count + col(dec_b1))
    h = jnp.maximum(h, 0.0)
    pred = tmat(dec_w2, h) + col(dec_b2)

    recon_part = jnp.reshape(jnp.sum(jnp.square(pred - item)), (1, 1))

    logit = tmat(head_w, pred) + col(head_b)
    target_ref[...] = 1.0 / (1.0 + jnp.exp(-logit))

    @pl.when(step == 0)
    def _init():
        reg_ref[...] = reg_part
        vq_ref[...] = vq_part
        recon_ref[...] = recon_part
        counts_ref[...] = counts_part

    @pl.when(step > 0)
    def _acc():
        reg_ref[...] += reg_part
        vq_ref[...] += vq_part
        recon_ref[...] += recon_part
        counts_ref[...] += counts_part

    @pl.when(step == _NBLK - 1)
    def _finalize():
        vq_ref[...] = vq_ref[...] * (1.25 / (B * CB_DIM))
        recon_ref[...] = recon_ref[...] * (1.0 / B)
        probs = counts_ref[...] * (1.0 / B)
        ent = jnp.sum(probs * jnp.log(probs + 1e-10))
        perp_ref[...] = jnp.reshape(jnp.exp(-ent), (1, 1))


@jax.jit
def _dense(item_t, brand_t, cate_t, count_t, noise_t, codebook,
           me_w1, me_b1, me_w2, me_b2,
           lv_w1, lv_b1, lv_w2, lv_b2,
           mp_w1, mp_b1, mp_w2, mp_b2,
           lp_w1, lp_b1, lp_w2, lp_b2,
           dec_w1, dec_b1, dec_w2, dec_b2,
           head_w, head_b):
    scalar = jax.ShapeDtypeStruct((1, 1), jnp.float32)
    out_shape = (scalar, scalar,
                 jax.ShapeDtypeStruct((1, B), jnp.float32),
                 scalar, scalar)
    blk = lambda i: (0, i)
    cst2 = lambda i: (0, 0)
    cst1 = lambda i: (0,)
    w2spec = pl.BlockSpec(index_map=cst2)
    w1spec = pl.BlockSpec(index_map=cst1)
    tr_spec = lambda h: pl.BlockSpec((h, _BLK), blk)
    scal_spec = pl.BlockSpec((1, 1), cst2)
    wspecs = [w2spec, w1spec, w2spec, w1spec,
              w2spec, w1spec, w2spec, w1spec,
              w2spec, w1spec, w2spec, w1spec,
              w2spec, w1spec, w2spec, w1spec,
              w2spec, w1spec, w2spec, w1spec,
              w2spec, w1spec]
    outs = pl.pallas_call(
        _dense_body,
        grid=(_NBLK,),
        in_specs=[tr_spec(EMB), tr_spec(EMB), tr_spec(EMB),
                  tr_spec(1), tr_spec(CB_DIM), w2spec] + wspecs,
        out_specs=(scal_spec, scal_spec, pl.BlockSpec((1, _BLK), blk),
                   scal_spec, scal_spec),
        scratch_shapes=[pltpu.VMEM((CB_SIZE, 1), jnp.float32)],
        out_shape=out_shape,
    )(item_t, brand_t, cate_t, count_t, noise_t, codebook,
      me_w1, me_b1, me_w2, me_b2,
      lv_w1, lv_b1, lv_w2, lv_b2,
      mp_w1, mp_b1, mp_w2, mp_b2,
      lp_w1, lp_b1, lp_w2, lp_b2,
      dec_w1, dec_b1, dec_w2, dec_b2,
      head_w, head_b)
    recon, reg, target, vq, perp = outs
    return (recon[0, 0], reg[0, 0], target.reshape(B, 1),
            vq[0, 0], perp[0, 0])


def kernel(item_id, feat_brand, feat_cate, count, noise, item_emb_table,
           brand_table, cate_table, codebook,
           me_w1, me_b1, me_w2, me_b2,
           lv_w1, lv_b1, lv_w2, lv_b2,
           mp_w1, mp_b1, mp_w2, mp_b2,
           lp_w1, lp_b1, lp_w2, lp_b2,
           dec_w1, dec_b1, dec_w2, dec_b2,
           head_w, head_b):
    item_t = _sc_gather(item_emb_table.T.reshape(-1),
                        item_id.astype(jnp.int32))
    brand_t = _sc_gather(brand_table.T.reshape(-1),
                         feat_brand.astype(jnp.int32))
    cate_t = _sc_gather(cate_table.T.reshape(-1),
                        feat_cate.astype(jnp.int32))
    return _dense(item_t, brand_t, cate_t,
                  count.reshape(1, B), noise.T, codebook,
                  me_w1, me_b1, me_w2, me_b2,
                  lv_w1, lv_b1, lv_w2, lv_b2,
                  mp_w1, mp_b1, mp_w2, mp_b2,
                  lp_w1, lp_b1, lp_w2, lp_b2,
                  dec_w1, dec_b1, dec_w2, dec_b2,
                  head_w, head_b)

# --- scband reference (transcript-rebuilt; emitter-appended) ---
"""Pipeline reference for scband-vqvae-45861660786778 (READ-ONLY COPY).

The authoritative reference and input builder live on the scoring server;
editing this copy changes nothing except your own understanding.
"""

import jax, jax.numpy as jnp
import numpy as np

B = 16384
V = 100000
EMB = 16
CB_SIZE = 32
CB_DIM = 8
SIDE = 32  # two sparse item features of emb_dim 16 each


def _mlp(x, w1, b1, w2, b2):
    return jnp.maximum(x @ w1 + b1, 0.0) @ w2 + b2


def setup_inputs(seed: int = 0) -> dict:
    key = jax.random.key(seed)
    ks = jax.random.split(key, 40)
    inp = {}
    # forward-arg tensors
    inp['item_id'] = jax.random.randint(ks[0], (B,), 0, V)
    inp['feat_brand'] = jax.random.randint(ks[1], (B,), 0, V)
    inp['feat_cate'] = jax.random.randint(ks[2], (B,), 0, V)
    inp['count'] = jax.random.uniform(ks[3], (B, 1), dtype=jnp.float32)
    inp['noise'] = jax.random.normal(ks[4], (B, CB_DIM), dtype=jnp.float32)
    # learned parameters
    inp['item_emb_table'] = jax.random.normal(ks[5], (V, EMB)) * 0.05
    inp['brand_table'] = jax.random.normal(ks[6], (V, EMB)) * 0.05
    inp['cate_table'] = jax.random.normal(ks[7], (V, EMB)) * 0.05
    inp['codebook'] = jax.random.normal(ks[8], (CB_SIZE, CB_DIM)) * 0.05
    # mean_encoder: Linear(16,16) -> ReLU -> Linear(16,8)
    inp['me_w1'] = jax.random.normal(ks[9], (EMB, 16)) * 0.05
    inp['me_b1'] = jax.random.normal(ks[10], (16,)) * 0.05
    inp['me_w2'] = jax.random.normal(ks[11], (16, 8)) * 0.05
    inp['me_b2'] = jax.random.normal(ks[12], (8,)) * 0.05
    # log_v_encoder
    inp['lv_w1'] = jax.random.normal(ks[13], (EMB, 16)) * 0.05
    inp['lv_b1'] = jax.random.normal(ks[14], (16,)) * 0.05
    inp['lv_w2'] = jax.random.normal(ks[15], (16, 8)) * 0.05
    inp['lv_b2'] = jax.random.normal(ks[16], (8,)) * 0.05
    # mean_encoder_p: Linear(32,16) -> ReLU -> Linear(16,8)
    inp['mp_w1'] = jax.random.normal(ks[17], (SIDE, 16)) * 0.05
    inp['mp_b1'] = jax.random.normal(ks[18], (16,)) * 0.05
    inp['mp_w2'] = jax.random.normal(ks[19], (16, 8)) * 0.05
    inp['mp_b2'] = jax.random.normal(ks[20], (8,)) * 0.05
    # log_v_encoder_p
    inp['lp_w1'] = jax.random.normal(ks[21], (SIDE, 16)) * 0.05
    inp['lp_b1'] = jax.random.normal(ks[22], (16,)) * 0.05
    inp['lp_w2'] = jax.random.normal(ks[23], (16, 8)) * 0.05
    inp['lp_b2'] = jax.random.normal(ks[24], (8,)) * 0.05
    # decoder: Linear(9,12) -> ReLU -> Linear(12,16)
    inp['dec_w1'] = jax.random.normal(ks[25], (9, 12)) * 0.05
    inp['dec_b1'] = jax.random.normal(ks[26], (12,)) * 0.05
    inp['dec_w2'] = jax.random.normal(ks[27], (12, EMB)) * 0.05
    inp['dec_b2'] = jax.random.normal(ks[28], (EMB,)) * 0.05
    # stand-in for model.forward_with_item_id_emb head
    inp['head_w'] = jax.random.normal(ks[29], (EMB, 1)) * 0.05
    inp['head_b'] = jax.random.normal(ks[30], (1,)) * 0.05
    return inp


def reference(item_id, feat_brand, feat_cate, count, noise,
              item_emb_table, brand_table, cate_table, codebook,
              me_w1, me_b1, me_w2, me_b2,
              lv_w1, lv_b1, lv_w2, lv_b2,
              mp_w1, mp_b1, mp_w2, mp_b2,
              lp_w1, lp_b1, lp_w2, lp_b2,
              dec_w1, dec_b1, dec_w2, dec_b2,
              head_w, head_b):
    # embedding lookups (gathers)
    item_id_emb = jnp.take(item_emb_table, item_id, axis=0)          # [B,16]
    brand_emb = jnp.take(brand_table, feat_brand, axis=0)            # [B,16]
    cate_emb = jnp.take(cate_table, feat_cate, axis=0)               # [B,16]
    sideinfo_emb = jnp.concatenate([brand_emb, cate_emb], axis=1)    # [B,32]

    mean = _mlp(item_id_emb, me_w1, me_b1, me_w2, me_b2)             # [B,8]
    log_v = _mlp(item_id_emb, lv_w1, lv_b1, lv_w2, lv_b2)            # [B,8]
    mean_p = _mlp(sideinfo_emb, mp_w1, mp_b1, mp_w2, mp_b2)          # [B,8]
    log_v_p = _mlp(sideinfo_emb, lp_w1, lp_b1, lp_w2, lp_b2)         # [B,8]

    # wasserstein regularizer
    p1 = jnp.sum(jnp.square(mean - mean_p), axis=1)
    p2 = jnp.sum(jnp.square(jnp.sqrt(jnp.exp(log_v)) - jnp.sqrt(jnp.exp(log_v_p))), axis=1)
    reg_term = jnp.sum(p1 + p2)

    # reparameterize
    z = mean + jnp.exp(log_v * 0.5) * noise                          # [B,8]

    # vector quantizer (argmin over cdist; squared distances share the argmin)
    dist2 = jnp.sum(jnp.square(z[:, None, :] - codebook[None, :, :]), axis=-1)  # [B,32]
    codebook_indices = jnp.argmin(dist2, axis=1)
    one_hot = jax.nn.one_hot(codebook_indices, CB_SIZE, dtype=z.dtype)
    z_q = one_hot @ codebook                                         # [B,8]
    vq_loss = jnp.mean(jnp.square(jax.lax.stop_gradient(z_q) - z))
    commit_loss = jnp.mean(jnp.square(jax.lax.stop_gradient(z) - z_q))
    vq_loss = vq_loss + 0.25 * commit_loss
    z_q = z + jax.lax.stop_gradient(z_q - z)  # straight-through (unused downstream, as in torch)
    avg_probs = jnp.mean(one_hot, axis=0)
    perplexity = jnp.exp(-jnp.sum(avg_probs * jnp.log(avg_probs + 1e-10)))

    # decoder uses z (not z_q), matching the torch code
    pred = _mlp(jnp.concatenate([z, count], axis=1), dec_w1, dec_b1, dec_w2, dec_b2)  # [B,16]

    recon_loss = jnp.mean(jnp.sum(jnp.square(pred - item_id_emb), axis=-1))

    # stand-in for model.forward_with_item_id_emb(warm_id_emb, x_dict)
    target = jax.nn.sigmoid(pred @ head_w + head_b)                  # [B,1]

    return (recon_loss, reg_term, target, vq_loss, perplexity)

if __name__ == "__main__":
    import jax
    _d = setup_inputs()
    print(jax.jit(kernel)(*tuple(_d.values())))

</pallas_src>

<mosaic_0001>
#map = affine_map<(d0, d1) -> (0)>
#map1 = affine_map<(d0, d1) -> (0, 0)>
module attributes {stable_mosaic.version = 14 : i64} {
  func.func @_sc_gather_body(%arg0: i32, %arg1: i32, %arg2: memref<1600000xf32, #tpu.memory_space<hbm>>, %arg3: memref<16384xi32, #tpu.memory_space<hbm>>, %arg4: memref<16x16384xf32, #tpu.memory_space<hbm>>, %arg5: memref<512xi32, #tpu.memory_space<vmem>>, %arg6: memref<8192xi32, #tpu.memory_space<vmem>>, %arg7: memref<8192xf32, #tpu.memory_space<vmem>>, %arg8: memref<!tpu.dma_semaphore, #tpu.memory_space<semaphore_mem>>, %arg9: memref<!tpu.dma_semaphore, #tpu.memory_space<semaphore_mem>>) attributes {dimension_semantics = [#tpu.dimension_semantics<core_parallel>, #tpu.dimension_semantics<subcore_parallel>], iteration_bounds = array<i64: 2, 16>, scalar_prefetch = 0 : i64, scratch_operands = 5 : i64, tpu.core_type = #tpu.core_type<sc_vector_subcore>, window_params = [{transform_indices = #map}, {transform_indices = #map}, {transform_indices = #map1}]} {
    %mul3A = arith.constant 2 : i32
    %mul3A_0 = arith.muli %arg1, %mul3A : i32
    %add3A = arith.addi %mul3A_0, %arg0 : i32
    %mul3A_1 = arith.constant 512 : i32
    %mul3A_2 = arith.muli %add3A, %mul3A_1 : i32
    "tpu.region"() ({
      %run_scoped3A = tpu.sem_alloc : memref<!tpu.dma_semaphore, #tpu.memory_space<semaphore_mem>>
      %dma_start3A_319 = tpu.memref_slice %arg3[%mul3A_2] : memref<16384xi32, #tpu.memory_space<hbm>> -> memref<512xi32, #tpu.memory_space<hbm>>
      %dma_start3A_320 = tpu.memref_slice %arg3[%mul3A_2] : memref<16384xi32, #tpu.memory_space<hbm>> -> memref<512xi32, #tpu.memory_space<hbm>>
      tpu.enqueue_dma source(%dma_start3A_320 : memref<512xi32, #tpu.memory_space<hbm>>) target(%arg5 : memref<512xi32, #tpu.memory_space<vmem>>) target_semaphore(%run_scoped3A : memref<!tpu.dma_semaphore, #tpu.memory_space<semaphore_mem>>)
      %dma_wait3A_321 = tpu.memref_slice %arg3[%mul3A_2] : memref<16384xi32, #tpu.memory_space<hbm>> -> memref<512xi32, #tpu.memory_space<hbm>>
      %dma_wait3A_322 = tpu.memref_slice %arg3[%mul3A_2] : memref<16384xi32, #tpu.memory_space<hbm>> -> memref<512xi32, #tpu.memory_space<hbm>>
      tpu.wait_dma2 semaphore(%run_scoped3A : memref<!tpu.dma_semaphore, #tpu.memory_space<semaphore_mem>>) src(%dma_wait3A_322 : memref<512xi32, #tpu.memory_space<hbm>>) dst(%arg5 : memref<512xi32, #tpu.memory_space<vmem>>)
      tpu.yield
    }) : () -> ()
    %scan3A = arith.constant 0 : i32
    %scan3A_3 = arith.constant 0 : i32
    %scan3A_4 = arith.constant 32 : i32
    %scan3A_5 = arith.addi %scan3A_3, %scan3A_4 : i32
    %scan3A_6 = arith.constant 1 : i32
    %scan3A_7 = scf.for %scan3A_319 = %scan3A_3 to %scan3A_5 step %scan3A_6 iter_args(%scan3A_320 = %scan3A) -> (i32)  : i32 {
      %mul3A_321 = arith.constant 16 : i32
      %mul3A_322 = arith.muli %scan3A_319, %mul3A_321 : i32
      %get3A = arith.index_cast %mul3A_322 : i32 to index
      %get3A_323 = tpu.vector_load %arg5[%get3A] {strides = array<i32>} : memref<512xi32, #tpu.memory_space<vmem>>, vector<16xi32>,
      %get3A_324 = vector.shape_cast %get3A_323 : vector<16xi32> to vector<16xi32>
      %broadcast_in_dim3A = arith.constant 0 : i32
      %broadcast_in_dim3A_325 = vector.broadcast %broadcast_in_dim3A : i32 to vector<16xi32>
      %add3A_326 = arith.addi %get3A_324, %broadcast_in_dim3A_325 : vector<16xi32>
      %add3A_327 = arith.constant 0 : i32
      %add3A_328 = arith.addi %add3A_327, %mul3A_322 : i32
      %swap3A = arith.index_cast %add3A_328 : i32 to index
      %swap3A_329 = tpu.vector_load %arg6[%swap3A] {strides = array<i32>} : memref<8192xi32, #tpu.memory_space<vmem>>, vector<16xi32>,
      %swap3A_330 = vector.shape_cast %swap3A_329 : vector<16xi32> to vector<16xi32>
      %swap3A_331 = vector.shape_cast %add3A_326 : vector<16xi32> to vector<16xi32>
      tpu.vector_store %arg6[%swap3A], %swap3A_331 {strides = array<i32>} : memref<8192xi32, #tpu.memory_space<vmem>>, vector<16xi32>,
      %broadcast_in_dim3A_332 = arith.constant 100000 : i32
      %broadcast_in_dim3A_333 = vector.broadcast %broadcast_in_dim3A_332 : i32 to vector<16xi32>
      %add3A_334 = arith.addi %get3A_324, %broadcast_in_dim3A_333 : vector<16xi32>
      %add3A_335 = arith.constant 512 : i32
      %add3A_336 = arith.addi %add3A_335, %mul3A_322 : i32
      %swap3A_337 = arith.index_cast %add3A_336 : i32 to index
      %swap3A_338 = tpu.vector_load %arg6[%swap3A_337] {strides = array<i32>} : memref<8192xi32, #tpu.memory_space<vmem>>, vector<16xi32>,
      %swap3A_339 = vector.shape_cast %swap3A_338 : vector<16xi32> to vector<16xi32>
      %swap3A_340 = vector.shape_cast %add3A_334 : vector<16xi32> to vector<16xi32>
      tpu.vector_store %arg6[%swap3A_337], %swap3A_340 {strides = array<i32>} : memref<8192xi32, #tpu.memory_space<vmem>>, vector<16xi32>,
      %broadcast_in_dim3A_341 = arith.constant 200000 : i32
      %broadcast_in_dim3A_342 = vector.broadcast %broadcast_in_dim3A_341 : i32 to vector<16xi32>
      %add3A_343 = arith.addi %get3A_324, %broadcast_in_dim3A_342 : vector<16xi32>
      %add3A_344 = arith.constant 1024 : i32
      %add3A_345 = arith.addi %add3A_344, %mul3A_322 : i32
      %swap3A_346 = arith.index_cast %add3A_345 : i32 to index
      %swap3A_347 = tpu.vector_load %arg6[%swap3A_346] {strides = array<i32>} : memref<8192xi32, #tpu.memory_space<vmem>>, vector<16xi32>,
      %swap3A_348 = vector.shape_cast %swap3A_347 : vector<16xi32> to vector<16xi32>
      %swap3A_349 = vector.shape_cast %add3A_343 : vector<16xi32> to vector<16xi32>
      tpu.vector_store %arg6[%swap3A_346], %swap3A_349 {strides = array<i32>} : memref<8192xi32, #tpu.memory_space<vmem>>, vector<16xi32>,
      %broadcast_in_dim3A_350 = arith.constant 300000 : i32
      %broadcast_in_dim3A_351 = vector.broadcast %broadcast_in_dim3A_350 : i32 to vector<16xi32>
      %add3A_352 = arith.addi %get3A_324, %broadcast_in_dim3A_351 : vector<16xi32>
      %add3A_353 = arith.constant 1536 : i32
      %add3A_354 = arith.addi %add3A_353, %mul3A_322 : i32
      %swap3A_355 = arith.index_cast %add3A_354 : i32 to index
      %swap3A_356 = tpu.vector_load %arg6[%swap3A_355] {strides = array<i32>} : memref<8192xi32, #tpu.memory_space<vmem>>, vector<16xi32>,
      %swap3A_357 = vector.shape_cast %swap3A_356 : vector<16xi32> to vector<16xi32>
      %swap3A_358 = vector.shape_cast %add3A_352 : vector<16xi32> to vector<16xi32>
      tpu.vector_store %arg6[%swap3A_355], %swap3A_358 {strides = array<i32>} : memref<8192xi32, #tpu.memory_space<vmem>>, vector<16xi32>,
      %broadcast_in_dim3A_359 = arith.constant 400000 : i32
      %broadcast_in_dim3A_360 = vector.broadcast %broadcast_in_dim3A_359 : i32 to vector<16xi32>
      %add3A_361 = arith.addi %get3A_324, %broadcast_in_dim3A_360 : vector<16xi32>
      %add3A_362 = arith.constant 2048 : i32
      %add3A_363 = arith.addi %add3A_362, %mul3A_322 : i32
      %swap3A_364 = arith.index_cast %add3A_363 : i32 to index
      %swap3A_365 = tpu.vector_load %arg6[%swap3A_364] {strides = array<i32>} : memref<8192xi32, #tpu.memory_space<vmem>>, vector<16xi32>,
      %swap3A_366 = vector.shape_cast %swap3A_365 : vector<16xi32> to vector<16xi32>
      %swap3A_367 = vector.shape_cast %add3A_361 : vector<16xi32> to vector<16xi32>
      tpu.vector_store %arg6[%swap3A_364], %swap3A_367 {strides = array<i32>} : memref<8192xi32, #tpu.memory_space<vmem>>, vector<16xi32>,
      %broadcast_in_dim3A_368 = arith.constant 500000 : i32
      %broadcast_in_dim3A_369 = vector.broadcast %broadcast_in_dim3A_368 : i32 to vector<16xi32>
      %add3A_370 = arith.addi %get3A_324, %broadcast_in_dim3A_369 : vector<16xi32>
      %add3A_371 = arith.constant 2560 : i32
      %add3A_372 = arith.addi %add3A_371, %mul3A_322 : i32
      %swap3A_373 = arith.index_cast %add3A_372 : i32 to index
      %swap3A_374 = tpu.vector_load %arg6[%swap3A_373] {strides = array<i32>} : memref<8192xi32, #tpu.memory_space<vmem>>, vector<16xi32>,
      %swap3A_375 = vector.shape_cast %swap3A_374 : vector<16xi32> to vector<16xi32>
      %swap3A_376 = vector.shape_cast %add3A_370 : vector<16xi32> to vector<16xi32>
      tpu.vector_store %arg6[%swap3A_373], %swap3A_376 {strides = array<i32>} : memref<8192xi32, #tpu.memory_space<vmem>>, vector<16xi32>,
      %broadcast_in_dim3A_377 = arith.constant 600000 : i32
      %broadcast_in_dim3A_378 = vector.broadcast %broadcast_in_dim3A_377 : i32 to vector<16xi32>
      %add3A_379 = arith.addi %get3A_324, %broadcast_in_dim3A_378 : vector<16xi32>
      %add3A_380 = arith.constant 3072 : i32
      %add3A_381 = arith.addi %add3A_380, %mul3A_322 : i32
      %swap3A_382 = arith.index_cast %add3A_381 : i32 to index
      %swap3A_383 = tpu.vector_load %arg6[%swap3A_382] {strides = array<i32>} : memref<8192xi32, #tpu.memory_space<vmem>>, vector<16xi32>,
      %swap3A_384 = vector.shape_cast %swap3A_383 : vector<16xi32> to vector<16xi32>
      %swap3A_385 = vector.shape_cast %add3A_379 : vector<16xi32> to vector<16xi32>
      tpu.vector_store %arg6[%swap3A_382], %swap3A_385 {strides = array<i32>} : memref<8192xi32, #tpu.memory_space<vmem>>, vector<16xi32>,
      %broadcast_in_dim3A_386 = arith.constant 700000 : i32
      %broadcast_in_dim3A_387 = vector.broadcast %broadcast_in_dim3A_386 : i32 to vector<16xi32>
      %add3A_388 = arith.addi %get3A_324, %broadcast_in_dim3A_387 : vector<16xi32>
      %add3A_389 = arith.constant 3584 : i32
      %add3A_390 = arith.addi %add3A_389, %mul3A_322 : i32
      %swap3A_391 = arith.index_cast %add3A_390 : i32 to index
      %swap3A_392 = tpu.vector_load %arg6[%swap3A_391] {strides = array<i32>} : memref<8192xi32, #tpu.memory_space<vmem>>, vector<16xi32>,
      %swap3A_393 = vector.shape_cast %swap3A_392 : vector<16xi32> to vector<16xi32>
      %swap3A_394 = vector.shape_cast %add3A_388 : vector<16xi32> to vector<16xi32>
      tpu.vector_store %arg6[%swap3A_391], %swap3A_394 {strides = array<i32>} : memref<8192xi32, #tpu.memory_space<vmem>>, vector<16xi32>,
      %broadcast_in_dim3A_395 = arith.constant 800000 : i32
      %broadcast_in_dim3A_396 = vector.broadcast %broadcast_in_dim3A_395 : i32 to vector<16xi32>
      %add3A_397 = arith.addi %get3A_324, %broadcast_in_dim3A_396 : vector<16xi32>
      %add3A_398 = arith.constant 4096 : i32
      %add3A_399 = arith.addi %add3A_398, %mul3A_322 : i32
      %swap3A_400 = arith.index_cast %add3A_399 : i32 to index
      %swap3A_401 = tpu.vector_load %arg6[%swap3A_400] {strides = array<i32>} : memref<8192xi32, #tpu.memory_space<vmem>>, vector<16xi32>,
      %swap3A_402 = vector.shape_cast %swap3A_401 : vector<16xi32> to vector<16xi32>
      %swap3A_403 = vector.shape_cast %add3A_397 : vector<16xi32> to vector<16xi32>
      tpu.vector_store %arg6[%swap3A_400], %swap3A_403 {strides = array<i32>} : memref<8192xi32, #tpu.memory_space<vmem>>, vector<16xi32>,
      %broadcast_in_dim3A_404 = arith.constant 900000 : i32
      %broadcast_in_dim3A_405 = vector.broadcast %broadcast_in_dim3A_404 : i32 to vector<16xi32>
      %add3A_406 = arith.addi %get3A_324, %broadcast_in_dim3A_405 : vector<16xi32>
      %add3A_407 = arith.constant 4608 : i32
      %add3A_408 = arith.addi %add3A_407, %mul3A_322 : i32
      %swap3A_409 = arith.index_cast %add3A_408 : i32 to index
      %swap3A_410 = tpu.vector_load %arg6[%swap3A_409] {strides = array<i32>} : memref<8192xi32, #tpu.memory_space<vmem>>, vector<16xi32>,
      %swap3A_411 = vector.shape_cast %swap3A_410 : vector<16xi32> to vector<16xi32>
      %swap3A_412 = vector.shape_cast %add3A_406 : vector<16xi32> to vector<16xi32>
      tpu.vector_store %arg6[%swap3A_409], %swap3A_412 {strides = array<i32>} : memref<8192xi32, #tpu.memory_space<vmem>>, vector<16xi32>,
      %broadcast_in_dim3A_413 = arith.constant 1000000 : i32
      %broadcast_in_dim3A_414 = vector.broadcast %broadcast_in_dim3A_413 : i32 to vector<16xi32>
      %add3A_415 = arith.addi %get3A_324, %broadcast_in_dim3A_414 : vector<16xi32>
      %add3A_416 = arith.constant 5120 : i32
      %add3A_417 = arith.addi %add3A_416, %mul3A_322 : i32
      %swap3A_418 = arith.index_cast %add3A_417 : i32 to index
      %swap3A_419 = tpu.vector_load %arg6[%swap3A_418] {strides = array<i32>} : memref<8192xi32, #tpu.memory_space<vmem>>, vector<16xi32>,
      %swap3A_420 = vector.shape_cast %swap3A_419 : vector<16xi32> to vector<16xi32>
      %swap3A_421 = vector.shape_cast %add3A_415 : vector<16xi32> to vector<16xi32>
      tpu.vector_store %arg6[%swap3A_418], %swap3A_421 {strides = array<i32>} : memref<8192xi32, #tpu.memory_space<vmem>>, vector<16xi32>,
      %broadcast_in_dim3A_422 = arith.constant 1100000 : i32
      %broadcast_in_dim3A_423 = vector.broadcast %broadcast_in_dim3A_422 : i32 to vector<16xi32>
      %add3A_424 = arith.addi %get3A_324, %broadcast_in_dim3A_423 : vector<16xi32>
      %add3A_425 = arith.constant 5632 : i32
      %add3A_426 = arith.addi %add3A_425, %mul3A_322 : i32
      %swap3A_427 = arith.index_cast %add3A_426 : i32 to index
      %swap3A_428 = tpu.vector_load %arg6[%swap3A_427] {strides = array<i32>} : memref<8192xi32, #tpu.memory_space<vmem>>, vector<16xi32>,
      %swap3A_429 = vector.shape_cast %swap3A_428 : vector<16xi32> to vector<16xi32>
      %swap3A_430 = vector.shape_cast %add3A_424 : vector<16xi32> to vector<16xi32>
      tpu.vector_store %arg6[%swap3A_427], %swap3A_430 {strides = array<i32>} : memref<8192xi32, #tpu.memory_space<vmem>>, vector<16xi32>,
      %broadcast_in_dim3A_431 = arith.constant 1200000 : i32
      %broadcast_in_dim3A_432 = vector.broadcast %broadcast_in_dim3A_431 : i32 to vector<16xi32>
      %add3A_433 = arith.addi %get3A_324, %broadcast_in_dim3A_432 : vector<16xi32>
      %add3A_434 = arith.constant 6144 : i32
      %add3A_435 = arith.addi %add3A_434, %mul3A_322 : i32
      %swap3A_436 = arith.index_cast %add3A_435 : i32 to index
      %swap3A_437 = tpu.vector_load %arg6[%swap3A_436] {strides = array<i32>} : memref<8192xi32, #tpu.memory_space<vmem>>, vector<16xi32>,
      %swap3A_438 = vector.shape_cast %swap3A_437 : vector<16xi32> to vector<16xi32>
      %swap3A_439 = vector.shape_cast %add3A_433 : vector<16xi32> to vector<16xi32>
      tpu.vector_store %arg6[%swap3A_436], %swap3A_439 {strides = array<i32>} : memref<8192xi32, #tpu.memory_space<vmem>>, vector<16xi32>,
      %broadcast_in_dim3A_440 = arith.constant 1300000 : i32
      %broadcast_in_dim3A_441 = vector.broadcast %broadcast_in_dim3A_440 : i32 to vector<16xi32>
      %add3A_442 = arith.addi %get3A_324, %broadcast_in_dim3A_441 : vector<16xi32>
      %add3A_443 = arith.constant 6656 : i32
      %add3A_444 = arith.addi %add3A_443, %mul3A_322 : i32
      %swap3A_445 = arith.index_cast %add3A_444 : i32 to index
      %swap3A_446 = tpu.vector_load %arg6[%swap3A_445] {strides = array<i32>} : memref<8192xi32, #tpu.memory_space<vmem>>, vector<16xi32>,
      %swap3A_447 = vector.shape_cast %swap3A_446 : vector<16xi32> to vector<16xi32>
      %swap3A_448 = vector.shape_cast %add3A_442 : vector<16xi32> to vector<16xi32>
      tpu.vector_store %arg6[%swap3A_445], %swap3A_448 {strides = array<i32>} : memref<8192xi32, #tpu.memory_space<vmem>>, vector<16xi32>,
      %broadcast_in_dim3A_449 = arith.constant 1400000 : i32
      %broadcast_in_dim3A_450 = vector.broadcast %broadcast_in_dim3A_449 : i32 to vector<16xi32>
      %add3A_451 = arith.addi %get3A_324, %broadcast_in_dim3A_450 : vector<16xi32>
      %add3A_452 = arith.constant 7168 : i32
      %add3A_453 = arith.addi %add3A_452, %mul3A_322 : i32
      %swap3A_454 = arith.index_cast %add3A_453 : i32 to index
      %swap3A_455 = tpu.vector_load %arg6[%swap3A_454] {strides = array<i32>} : memref<8192xi32, #tpu.memory_space<vmem>>, vector<16xi32>,
      %swap3A_456 = vector.shape_cast %swap3A_455 : vector<16xi32> to vector<16xi32>
      %swap3A_457 = vector.shape_cast %add3A_451 : vector<16xi32> to vector<16xi32>
      tpu.vector_store %arg6[%swap3A_454], %swap3A_457 {strides = array<i32>} : memref<8192xi32, #tpu.memory_space<vmem>>, vector<16xi32>,
      %broadcast_in_dim3A_458 = arith.constant 1500000 : i32
      %broadcast_in_dim3A_459 = vector.broadcast %broadcast_in_dim3A_458 : i32 to vector<16xi32>
      %add3A_460 = arith.addi %get3A_324, %broadcast_in_dim3A_459 : vector<16xi32>
      %add3A_461 = arith.constant 7680 : i32
      %add3A_462 = arith.addi %add3A_461, %mul3A_322 : i32
      %swap3A_463 = arith.index_cast %add3A_462 : i32 to index
      %swap3A_464 = tpu.vector_load %arg6[%swap3A_463] {strides = array<i32>} : memref<8192xi32, #tpu.memory_space<vmem>>, vector<16xi32>,
      %swap3A_465 = vector.shape_cast %swap3A_464 : vector<16xi32> to vector<16xi32>
      %swap3A_466 = vector.shape_cast %add3A_460 : vector<16xi32> to vector<16xi32>
      tpu.vector_store %arg6[%swap3A_463], %swap3A_466 {strides = array<i32>} : memref<8192xi32, #tpu.memory_space<vmem>>, vector<16xi32>,
      %scan3A_467 = arith.constant 0 : i32
      scf.yield %scan3A_467 : i32
    }
    %scan3A_8 = arith.constant 32 : i32
    %dma_start3A = arith.constant 0 : i32
    %dma_start3A_9 = tpu.memref_slice %arg7[%dma_start3A] : memref<8192xf32, #tpu.memory_space<vmem>> -> memref<4096xf32, #tpu.memory_space<vmem>>
    %dma_start3A_10 = arith.constant 0 : i32
    %dma_start3A_11 = tpu.memref_slice %arg6[%dma_start3A_10] : memref<8192xi32, #tpu.memory_space<vmem>> -> memref<4096xi32, #tpu.memory_space<vmem>>
    %dma_start3A_12 = arith.constant 0 : i32
    %dma_start3A_13 = tpu.memref_slice %arg2[%dma_start3A_12] : memref<1600000xf32, #tpu.memory_space<hbm>> -> memref<1600000xf32, #tpu.memory_space<hbm>>
    tpu.enqueue_indirect_dma source(%dma_start3A_13 : memref<1600000xf32, #tpu.memory_space<hbm>>) target(%dma_start3A_9 : memref<4096xf32, #tpu.memory_space<vmem>>) offsets(%dma_start3A_11 : memref<4096xi32, #tpu.memory_space<vmem>>) semaphore(%arg8 : memref<!tpu.dma_semaphore, #tpu.memory_space<semaphore_mem>>)
    %dma_start3A_14 = arith.constant 4096 : i32
    %dma_start3A_15 = tpu.memref_slice %arg7[%dma_start3A_14] : memref<8192xf32, #tpu.memory_space<vmem>> -> memref<4096xf32, #tpu.memory_space<vmem>>
    %dma_start3A_16 = arith.constant 4096 : i32
    %dma_start3A_17 = tpu.memref_slice %arg6[%dma_start3A_16] : memref<8192xi32, #tpu.memory_space<vmem>> -> memref<4096xi32, #tpu.memory_space<vmem>>
    %dma_start3A_18 = arith.constant 0 : i32
    %dma_start3A_19 = tpu.memref_slice %arg2[%dma_start3A_18] : memref<1600000xf32, #tpu.memory_space<hbm>> -> memref<1600000xf32, #tpu.memory_space<hbm>>
    tpu.enqueue_indirect_dma source(%dma_start3A_19 : memref<1600000xf32, #tpu.memory_space<hbm>>) target(%dma_start3A_15 : memref<4096xf32, #tpu.memory_space<vmem>>) offsets(%dma_start3A_17 : memref<4096xi32, #tpu.memory_space<vmem>>) semaphore(%arg9 : memref<!tpu.dma_semaphore, #tpu.memory_space<semaphore_mem>>)
    %dma_wait3A = arith.constant 0 : i32
    %dma_wait3A_20 = tpu.memref_slice %arg7[%dma_wait3A] : memref<8192xf32, #tpu.memory_space<vmem>> -> memref<4096xf32, #tpu.memory_space<vmem>>
    %dma_wait3A_21 = arith.constant 0 : i32
    %dma_wait3A_22 = tpu.memref_slice %arg6[%dma_wait3A_21] : memref<8192xi32, #tpu.memory_space<vmem>> -> memref<4096xi32, #tpu.memory_space<vmem>>
    %dma_wait3A_23 = arith.constant 0 : i32
    %dma_wait3A_24 = tpu.memref_slice %arg2[%dma_wait3A_23] : memref<1600000xf32, #tpu.memory_space<hbm>> -> memref<1600000xf32, #tpu.memory_space<hbm>>
    tpu.wait_indirect_dma semaphore(%arg8 : memref<!tpu.dma_semaphore, #tpu.memory_space<semaphore_mem>>) src(%dma_wait3A_24 : memref<1600000xf32, #tpu.memory_space<hbm>>) dst(%dma_wait3A_20 : memref<4096xf32, #tpu.memory_space<vmem>>)
    %dma_wait3A_25 = arith.constant 4096 : i32
    %dma_wait3A_26 = tpu.memref_slice %arg7[%dma_wait3A_25] : memref<8192xf32, #tpu.memory_space<vmem>> -> memref<4096xf32, #tpu.memory_space<vmem>>
    %dma_wait3A_27 = arith.constant 4096 : i32
    %dma_wait3A_28 = tpu.memref_slice %arg6[%dma_wait3A_27] : memref<8192xi32, #tpu.memory_space<vmem>> -> memref<4096xi32, #tpu.memory_space<vmem>>
    %dma_wait3A_29 = arith.constant 0 : i32
    %dma_wait3A_30 = tpu.memref_slice %arg2[%dma_wait3A_29] : memref<1600000xf32, #tpu.memory_space<hbm>> -> memref<1600000xf32, #tpu.memory_space<hbm>>
    tpu.wait_indirect_dma semaphore(%arg9 : memref<!tpu.dma_semaphore, #tpu.memory_space<semaphore_mem>>) src(%dma_wait3A_30 : memref<1600000xf32, #tpu.memory_space<hbm>>) dst(%dma_wait3A_26 : memref<4096xf32, #tpu.memory_space<vmem>>)
    %dma_start3A_31 = arith.constant 0 : i32
    %dma_start3A_32 = arith.constant 0 : i32
    %dma_start3A_33 = tpu.memref_slice %arg7[%dma_start3A_32] : memref<8192xf32, #tpu.memory_space<vmem>> -> memref<512xf32, #tpu.memory_space<vmem>>
    %dma_start3A_34 = tpu.memref_slice %arg4[%dma_start3A_31, %mul3A_2] : memref<16x16384xf32, #tpu.memory_space<hbm>> -> memref<1x512xf32, #tpu.memory_space<hbm>>
    %dma_start3A_35 = tpu.memref_squeeze %dma_start3A_34 : memref<1x512xf32, #tpu.memory_space<hbm>> -> memref<512xf32, #tpu.memory_space<hbm>>
    %dma_start3A_36 = tpu.memref_slice %arg4[%dma_start3A_31, %mul3A_2] : memref<16x16384xf32, #tpu.memory_space<hbm>> -> memref<1x512xf32, #tpu.memory_space<hbm>>
    %dma_start3A_37 = tpu.memref_squeeze %dma_start3A_36 : memref<1x512xf32, #tpu.memory_space<hbm>> -> memref<512xf32, #tpu.memory_space<hbm>>
    %dma_start3A_38 = arith.constant 0 : i32
    %dma_start3A_39 = tpu.memref_slice %arg7[%dma_start3A_38] : memref<8192xf32, #tpu.memory_space<vmem>> -> memref<512xf32, #tpu.memory_space<vmem>>
    tpu.enqueue_dma source(%dma_start3A_39 : memref<512xf32, #tpu.memory_space<vmem>>) target(%dma_start3A_37 : memref<512xf32, #tpu.memory_space<hbm>>) target_semaphore(%arg8 : memref<!tpu.dma_semaphore, #tpu.memory_space<semaphore_mem>>)
    %dma_start3A_40 = arith.constant 1 : i32
    %dma_start3A_41 = arith.constant 512 : i32
    %dma_start3A_42 = tpu.memref_slice %arg7[%dma_start3A_41] : memref<8192xf32, #tpu.memory_space<vmem>> -> memref<512xf32, #tpu.memory_space<vmem>>
    %dma_start3A_43 = tpu.memref_slice %arg4[%dma_start3A_40, %mul3A_2] : memref<16x16384xf32, #tpu.memory_space<hbm>> -> memref<1x512xf32, #tpu.memory_space<hbm>>
    %dma_start3A_44 = tpu.memref_squeeze %dma_start3A_43 : memref<1x512xf32, #tpu.memory_space<hbm>> -> memref<512xf32, #tpu.memory_space<hbm>>
    %dma_start3A_45 = tpu.memref_slice %arg4[%dma_start3A_40, %mul3A_2] : memref<16x16384xf32, #tpu.memory_space<hbm>> -> memref<1x512xf32, #tpu.memory_space<hbm>>
    %dma_start3A_46 = tpu.memref_squeeze %dma_start3A_45 : memref<1x512xf32, #tpu.memory_space<hbm>> -> memref<512xf32, #tpu.memory_space<hbm>>
    %dma_start3A_47 = arith.constant 512 : i32
    %dma_start3A_48 = tpu.memref_slice %arg7[%dma_start3A_47] : memref<8192xf32, #tpu.memory_space<vmem>> -> memref<512xf32, #tpu.memory_space<vmem>>
    tpu.enqueue_dma source(%dma_start3A_48 : memref<512xf32, #tpu.memory_space<vmem>>) target(%dma_start3A_46 : memref<512xf32, #tpu.memory_space<hbm>>) target_semaphore(%arg9 : memref<!tpu.dma_semaphore, #tpu.memory_space<semaphore_mem>>)
    %dma_start3A_49 = arith.constant 2 : i32
    %dma_start3A_50 = arith.constant 1024 : i32
    %dma_start3A_51 = tpu.memref_slice %arg7[%dma_start3A_50] : memref<8192xf32, #tpu.memory_space<vmem>> -> memref<512xf32, #tpu.memory_space<vmem>>
    %dma_start3A_52 = tpu.memref_slice %arg4[%dma_start3A_49, %mul3A_2] : memref<16x16384xf32, #tpu.memory_space<hbm>> -> memref<1x512xf32, #tpu.memory_space<hbm>>
    %dma_start3A_53 = tpu.memref_squeeze %dma_start3A_52 : memref<1x512xf32, #tpu.memory_space<hbm>> -> memref<512xf32, #tpu.memory_space<hbm>>
    %dma_start3A_54 = tpu.memref_slice %arg4[%dma_start3A_49, %mul3A_2] : memref<16x16384xf32, #tpu.memory_space<hbm>> -> memref<1x512xf32, #tpu.memory_space<hbm>>
    %dma_start3A_55 = tpu.memref_squeeze %dma_start3A_54 : memref<1x512xf32, #tpu.memory_space<hbm>> -> memref<512xf32, #tpu.memory_space<hbm>>
    %dma_start3A_56 = arith.constant 1024 : i32
    %dma_start3A_57 = tpu.memref_slice %arg7[%dma_start3A_56] : memref<8192xf32, #tpu.memory_space<vmem>> -> memref<512xf32, #tpu.memory_space<vmem>>
    tpu.enqueue_dma source(%dma_start3A_57 : memref<512xf32, #tpu.memory_space<vmem>>) target(%dma_start3A_55 : memref<512xf32, #tpu.memory_space<hbm>>) target_semaphore(%arg8 : memref<!tpu.dma_semaphore, #tpu.memory_space<semaphore_mem>>)
    %dma_start3A_58 = arith.constant 3 : i32
    %dma_start3A_59 = arith.constant 1536 : i32
    %dma_start3A_60 = tpu.memref_slice %arg7[%dma_start3A_59] : memref<8192xf32, #tpu.memory_space<vmem>> -> memref<512xf32, #tpu.memory_space<vmem>>
    %dma_start3A_61 = tpu.memref_slice %arg4[%dma_start3A_58, %mul3A_2] : memref<16x16384xf32, #tpu.memory_space<hbm>> -> memref<1x512xf32, #tpu.memory_space<hbm>>
    %dma_start3A_62 = tpu.memref_squeeze %dma_start3A_61 : memref<1x512xf32, #tpu.memory_space<hbm>> -> memref<512xf32, #tpu.memory_space<hbm>>
    %dma_start3A_63 = tpu.memref_slice %arg4[%dma_start3A_58, %mul3A_2] : memref<16x16384xf32, #tpu.memory_space<hbm>> -> memref<1x512xf32, #tpu.memory_space<hbm>>
    %dma_start3A_64 = tpu.memref_squeeze %dma_start3A_63 : memref<1x512xf32, #tpu.memory_space<hbm>> -> memref<512xf32, #tpu.memory_space<hbm>>
    %dma_start3A_65 = arith.constant 1536 : i32
    %dma_start3A_66 = tpu.memref_slice %arg7[%dma_start3A_65] : memref<8192xf32, #tpu.memory_space<vmem>> -> memref<512xf32, #tpu.memory_space<vmem>>
    tpu.enqueue_dma source(%dma_start3A_66 : memref<512xf32, #tpu.memory_space<vmem>>) target(%dma_start3A_64 : memref<512xf32, #tpu.memory_space<hbm>>) target_semaphore(%arg9 : memref<!tpu.dma_semaphore, #tpu.memory_space<semaphore_mem>>)
    %dma_start3A_67 = arith.constant 4 : i32
    %dma_start3A_68 = arith.constant 2048 : i32
    %dma_start3A_69 = tpu.memref_slice %arg7[%dma_start3A_68] : memref<8192xf32, #tpu.memory_space<vmem>> -> memref<512xf32, #tpu.memory_space<vmem>>
    %dma_start3A_70 = tpu.memref_slice %arg4[%dma_start3A_67, %mul3A_2] : memref<16x16384xf32, #tpu.memory_space<hbm>> -> memref<1x512xf32, #tpu.memory_space<hbm>>
    %dma_start3A_71 = tpu.memref_squeeze %dma_start3A_70 : memref<1x512xf32, #tpu.memory_space<hbm>> -> memref<512xf32, #tpu.memory_space<hbm>>
    %dma_start3A_72 = tpu.memref_slice %arg4[%dma_start3A_67, %mul3A_2] : memref<16x16384xf32, #tpu.memory_space<hbm>> -> memref<1x512xf32, #tpu.memory_space<hbm>>
    %dma_start3A_73 = tpu.memref_squeeze %dma_start3A_72 : memref<1x512xf32, #tpu.memory_space<hbm>> -> memref<512xf32, #tpu.memory_space<hbm>>
    %dma_start3A_74 = arith.constant 2048 : i32
    %dma_start3A_75 = tpu.memref_slice %arg7[%dma_start3A_74] : memref<8192xf32, #tpu.memory_space<vmem>> -> memref<512xf32, #tpu.memory_space<vmem>>
    tpu.enqueue_dma source(%dma_start3A_75 : memref<512xf32, #tpu.memory_space<vmem>>) target(%dma_start3A_73 : memref<512xf32, #tpu.memory_space<hbm>>) target_semaphore(%arg8 : memref<!tpu.dma_semaphore, #tpu.memory_space<semaphore_mem>>)
    %dma_start3A_76 = arith.constant 5 : i32
    %dma_start3A_77 = arith.constant 2560 : i32
    %dma_start3A_78 = tpu.memref_slice %arg7[%dma_start3A_77] : memref<8192xf32, #tpu.memory_space<vmem>> -> memref<512xf32, #tpu.memory_space<vmem>>
    %dma_start3A_79 = tpu.memref_slice %arg4[%dma_start3A_76, %mul3A_2] : memref<16x16384xf32, #tpu.memory_space<hbm>> -> memref<1x512xf32, #tpu.memory_space<hbm>>
    %dma_start3A_80 = tpu.memref_squeeze %dma_start3A_79 : memref<1x512xf32, #tpu.memory_space<hbm>> -> memref<512xf32, #tpu.memory_space<hbm>>
    %dma_start3A_81 = tpu.memref_slice %arg4[%dma_start3A_76, %mul3A_2] : memref<16x16384xf32, #tpu.memory_space<hbm>> -> memref<1x512xf32, #tpu.memory_space<hbm>>
    %dma_start3A_82 = tpu.memref_squeeze %dma_start3A_81 : memref<1x512xf32, #tpu.memory_space<hbm>> -> memref<512xf32, #tpu.memory_space<hbm>>
    %dma_start3A_83 = arith.constant 2560 : i32
    %dma_start3A_84 = tpu.memref_slice %arg7[%dma_start3A_83] : memref<8192xf32, #tpu.memory_space<vmem>> -> memref<512xf32, #tpu.memory_space<vmem>>
    tpu.enqueue_dma source(%dma_start3A_84 : memref<512xf32, #tpu.memory_space<vmem>>) target(%dma_start3A_82 : memref<512xf32, #tpu.memory_space<hbm>>) target_semaphore(%arg9 : memref<!tpu.dma_semaphore, #tpu.memory_space<semaphore_mem>>)
    %dma_start3A_85 = arith.constant 6 : i32
    %dma_start3A_86 = arith.constant 3072 : i32
    %dma_start3A_87 = tpu.memref_slice %arg7[%dma_start3A_86] : memref<8192xf32, #tpu.memory_space<vmem>> -> memref<512xf32, #tpu.memory_space<vmem>>
    %dma_start3A_88 = tpu.memref_slice %arg4[%dma_start3A_85, %mul3A_2] : memref<16x16384xf32, #tpu.memory_space<hbm>> -> memref<1x512xf32, #tpu.memory_space<hbm>>
    %dma_start3A_89 = tpu.memref_squeeze %dma_start3A_88 : memref<1x512xf32, #tpu.memory_space<hbm>> -> memref<512xf32, #tpu.memory_space<hbm>>
    %dma_start3A_90 = tpu.memref_slice %arg4[%dma_start3A_85, %mul3A_2] : memref<16x16384xf32, #tpu.memory_space<hbm>> -> memref<1x512xf32, #tpu.memory_space<hbm>>
    %dma_start3A_91 = tpu.memref_squeeze %dma_start3A_90 : memref<1x512xf32, #tpu.memory_space<hbm>> -> memref<512xf32, #tpu.memory_space<hbm>>
    %dma_start3A_92 = arith.constant 3072 : i32
    %dma_start3A_93 = tpu.memref_slice %arg7[%dma_start3A_92] : memref<8192xf32, #tpu.memory_space<vmem>> -> memref<512xf32, #tpu.memory_space<vmem>>
    tpu.enqueue_dma source(%dma_start3A_93 : memref<512xf32, #tpu.memory_space<vmem>>) target(%dma_start3A_91 : memref<512xf32, #tpu.memory_space<hbm>>) target_semaphore(%arg8 : memref<!tpu.dma_semaphore, #tpu.memory_space<semaphore_mem>>)
    %dma_start3A_94 = arith.constant 7 : i32
    %dma_start3A_95 = arith.constant 3584 : i32
    %dma_start3A_96 = tpu.memref_slice %arg7[%dma_start3A_95] : memref<8192xf32, #tpu.memory_space<vmem>> -> memref<512xf32, #tpu.memory_space<vmem>>
    %dma_start3A_97 = tpu.memref_slice %arg4[%dma_start3A_94, %mul3A_2] : memref<16x16384xf32, #tpu.memory_space<hbm>> -> memref<1x512xf32, #tpu.memory_space<hbm>>
    %dma_start3A_98 = tpu.memref_squeeze %dma_start3A_97 : memref<1x512xf32, #tpu.memory_space<hbm>> -> memref<512xf32, #tpu.memory_space<hbm>>
    %dma_start3A_99 = tpu.memref_slice %arg4[%dma_start3A_94, %mul3A_2] : memref<16x16384xf32, #tpu.memory_space<hbm>> -> memref<1x512xf32, #tpu.memory_space<hbm>>
    %dma_start3A_100 = tpu.memref_squeeze %dma_start3A_99 : memref<1x512xf32, #tpu.memory_space<hbm>> -> memref<512xf32, #tpu.memory_space<hbm>>
    %dma_start3A_101 = arith.constant 3584 : i32
    %dma_start3A_102 = tpu.memref_slice %arg7[%dma_start3A_101] : memref<8192xf32, #tpu.memory_space<vmem>> -> memref<512xf32, #tpu.memory_space<vmem>>
    tpu.enqueue_dma source(%dma_start3A_102 : memref<512xf32, #tpu.memory_space<vmem>>) target(%dma_start3A_100 : memref<512xf32, #tpu.memory_space<hbm>>) target_semaphore(%arg9 : memref<!tpu.dma_semaphore, #tpu.memory_space<semaphore_mem>>)
    %dma_start3A_103 = arith.constant 8 : i32
    %dma_start3A_104 = arith.constant 4096 : i32
    %dma_start3A_105 = tpu.memref_slice %arg7[%dma_start3A_104] : memref<8192xf32, #tpu.memory_space<vmem>> -> memref<512xf32, #tpu.memory_space<vmem>>
    %dma_start3A_106 = tpu.memref_slice %arg4[%dma_start3A_103, %mul3A_2] : memref<16x16384xf32, #tpu.memory_space<hbm>> -> memref<1x512xf32, #tpu.memory_space<hbm>>
    %dma_start3A_107 = tpu.memref_squeeze %dma_start3A_106 : memref<1x512xf32, #tpu.memory_space<hbm>> -> memref<512xf32, #tpu.memory_space<hbm>>
    %dma_start3A_108 = tpu.memref_slice %arg4[%dma_start3A_103, %mul3A_2] : memref<16x16384xf32, #tpu.memory_space<hbm>> -> memref<1x512xf32, #tpu.memory_space<hbm>>
    %dma_start3A_109 = tpu.memref_squeeze %dma_start3A_108 : memref<1x512xf32, #tpu.memory_space<hbm>> -> memref<512xf32, #tpu.memory_space<hbm>>
    %dma_start3A_110 = arith.constant 4096 : i32
    %dma_start3A_111 = tpu.memref_slice %arg7[%dma_start3A_110] : memref<8192xf32, #tpu.memory_space<vmem>> -> memref<512xf32, #tpu.memory_space<vmem>>
    tpu.enqueue_dma source(%dma_start3A_111 : memref<512xf32, #tpu.memory_space<vmem>>) target(%dma_start3A_109 : memref<512xf32, #tpu.memory_space<hbm>>) target_semaphore(%arg8 : memref<!tpu.dma_semaphore, #tpu.memory_space<semaphore_mem>>)
    %dma_start3A_112 = arith.constant 9 : i32
    %dma_start3A_113 = arith.constant 4608 : i32
    %dma_start3A_114 = tpu.memref_slice %arg7[%dma_start3A_113] : memref<8192xf32, #tpu.memory_space<vmem>> -> memref<512xf32, #tpu.memory_space<vmem>>
    %dma_start3A_115 = tpu.memref_slice %arg4[%dma_start3A_112, %mul3A_2] : memref<16x16384xf32, #tpu.memory_space<hbm>> -> memref<1x512xf32, #tpu.memory_space<hbm>>
    %dma_start3A_116 = tpu.memref_squeeze %dma_start3A_115 : memref<1x512xf32, #tpu.memory_space<hbm>> -> memref<512xf32, #tpu.memory_space<hbm>>
    %dma_start3A_117 = tpu.memref_slice %arg4[%dma_start3A_112, %mul3A_2] : memref<16x16384xf32, #tpu.memory_space<hbm>> -> memref<1x512xf32, #tpu.memory_space<hbm>>
    %dma_start3A_118 = tpu.memref_squeeze %dma_start3A_117 : memref<1x512xf32, #tpu.memory_space<hbm>> -> memref<512xf32, #tpu.memory_space<hbm>>
    %dma_start3A_119 = arith.constant 4608 : i32
    %dma_start3A_120 = tpu.memref_slice %arg7[%dma_start3A_119] : memref<8192xf32, #tpu.memory_space<vmem>> -> memref<512xf32, #tpu.memory_space<vmem>>
    tpu.enqueue_dma source(%dma_start3A_120 : memref<512xf32, #tpu.memory_space<vmem>>) target(%dma_start3A_118 : memref<512xf32, #tpu.memory_space<hbm>>) target_semaphore(%arg9 : memref<!tpu.dma_semaphore, #tpu.memory_space<semaphore_mem>>)
    %dma_start3A_121 = arith.constant 10 : i32
    %dma_start3A_122 = arith.constant 5120 : i32
    %dma_start3A_123 = tpu.memref_slice %arg7[%dma_start3A_122] : memref<8192xf32, #tpu.memory_space<vmem>> -> memref<512xf32, #tpu.memory_space<vmem>>
    %dma_start3A_124 = tpu.memref_slice %arg4[%dma_start3A_121, %mul3A_2] : memref<16x16384xf32, #tpu.memory_space<hbm>> -> memref<1x512xf32, #tpu.memory_space<hbm>>
    %dma_start3A_125 = tpu.memref_squeeze %dma_start3A_124 : memref<1x512xf32, #tpu.memory_space<hbm>> -> memref<512xf32, #tpu.memory_space<hbm>>
    %dma_start3A_126 = tpu.memref_slice %arg4[%dma_start3A_121, %mul3A_2] : memref<16x16384xf32, #tpu.memory_space<hbm>> -> memref<1x512xf32, #tpu.memory_space<hbm>>
    %dma_start3A_127 = tpu.memref_squeeze %dma_start3A_126 : memref<1x512xf32, #tpu.memory_space<hbm>> -> memref<512xf32, #tpu.memory_space<hbm>>
    %dma_start3A_128 = arith.constant 5120 : i32
    %dma_start3A_129 = tpu.memref_slice %arg7[%dma_start3A_128] : memref<8192xf32, #tpu.memory_space<vmem>> -> memref<512xf32, #tpu.memory_space<vmem>>
    tpu.enqueue_dma source(%dma_start3A_129 : memref<512xf32, #tpu.memory_space<vmem>>) target(%dma_start3A_127 : memref<512xf32, #tpu.memory_space<hbm>>) target_semaphore(%arg8 : memref<!tpu.dma_semaphore, #tpu.memory_space<semaphore_mem>>)
    %dma_start3A_130 = arith.constant 11 : i32
    %dma_start3A_131 = arith.constant 5632 : i32
    %dma_start3A_132 = tpu.memref_slice %arg7[%dma_start3A_131] : memref<8192xf32, #tpu.memory_space<vmem>> -> memref<512xf32, #tpu.memory_space<vmem>>
    %dma_start3A_133 = tpu.memref_slice %arg4[%dma_start3A_130, %mul3A_2] : memref<16x16384xf32, #tpu.memory_space<hbm>> -> memref<1x512xf32, #tpu.memory_space<hbm>>
    %dma_start3A_134 = tpu.memref_squeeze %dma_start3A_133 : memref<1x512xf32, #tpu.memory_space<hbm>> -> memref<512xf32, #tpu.memory_space<hbm>>
    %dma_start3A_135 = tpu.memref_slice %arg4[%dma_start3A_130, %mul3A_2] : memref<16x16384xf32, #tpu.memory_space<hbm>> -> memref<1x512xf32, #tpu.memory_space<hbm>>
    %dma_start3A_136 = tpu.memref_squeeze %dma_start3A_135 : memref<1x512xf32, #tpu.memory_space<hbm>> -> memref<512xf32, #tpu.memory_space<hbm>>
    %dma_start3A_137 = arith.constant 5632 : i32
    %dma_start3A_138 = tpu.memref_slice %arg7[%dma_start3A_137] : memref<8192xf32, #tpu.memory_space<vmem>> -> memref<512xf32, #tpu.memory_space<vmem>>
    tpu.enqueue_dma source(%dma_start3A_138 : memref<512xf32, #tpu.memory_space<vmem>>) target(%dma_start3A_136 : memref<512xf32, #tpu.memory_space<hbm>>) target_semaphore(%arg9 : memref<!tpu.dma_semaphore, #tpu.memory_space<semaphore_mem>>)
    %dma_start3A_139 = arith.constant 12 : i32
    %dma_start3A_140 = arith.constant 6144 : i32
    %dma_start3A_141 = tpu.memref_slice %arg7[%dma_start3A_140] : memref<8192xf32, #tpu.memory_space<vmem>> -> memref<512xf32, #tpu.memory_space<vmem>>
    %dma_start3A_142 = tpu.memref_slice %arg4[%dma_start3A_139, %mul3A_2] : memref<16x16384xf32, #tpu.memory_space<hbm>> -> memref<1x512xf32, #tpu.memory_space<hbm>>
    %dma_start3A_143 = tpu.memref_squeeze %dma_start3A_142 : memref<1x512xf32, #tpu.memory_space<hbm>> -> memref<512xf32, #tpu.memory_space<hbm>>
    %dma_start3A_144 = tpu.memref_slice %arg4[%dma_start3A_139, %mul3A_2] : memref<16x16384xf32, #tpu.memory_space<hbm>> -> memref<1x512xf32, #tpu.memory_space<hbm>>
    %dma_start3A_145 = tpu.memref_squeeze %dma_start3A_144 : memref<1x512xf32, #tpu.memory_space<hbm>> -> memref<512xf32, #tpu.memory_space<hbm>>
    %dma_start3A_146 = arith.constant 6144 : i32
    %dma_start3A_147 = tpu.memref_slice %arg7[%dma_start3A_146] : memref<8192xf32, #tpu.memory_space<vmem>> -> memref<512xf32, #tpu.memory_space<vmem>>
    tpu.enqueue_dma source(%dma_start3A_147 : memref<512xf32, #tpu.memory_space<vmem>>) target(%dma_start3A_145 : memref<512xf32, #tpu.memory_space<hbm>>) target_semaphore(%arg8 : memref<!tpu.dma_semaphore, #tpu.memory_space<semaphore_mem>>)
    %dma_start3A_148 = arith.constant 13 : i32
    %dma_start3A_149 = arith.constant 6656 : i32
    %dma_start3A_150 = tpu.memref_slice %arg7[%dma_start3A_149] : memref<8192xf32, #tpu.memory_space<vmem>> -> memref<512xf32, #tpu.memory_space<vmem>>
    %dma_start3A_151 = tpu.memref_slice %arg4[%dma_start3A_148, %mul3A_2] : memref<16x16384xf32, #tpu.memory_space<hbm>> -> memref<1x512xf32, #tpu.memory_space<hbm>>
    %dma_start3A_152 = tpu.memref_squeeze %dma_start3A_151 : memref<1x512xf32, #tpu.memory_space<hbm>> -> memref<512xf32, #tpu.memory_space<hbm>>
    %dma_start3A_153 = tpu.memref_slice %arg4[%dma_start3A_148, %mul3A_2] : memref<16x16384xf32, #tpu.memory_space<hbm>> -> memref<1x512xf32, #tpu.memory_space<hbm>>
    %dma_start3A_154 = tpu.memref_squeeze %dma_start3A_153 : memref<1x512xf32, #tpu.memory_space<hbm>> -> memref<512xf32, #tpu.memory_space<hbm>>
    %dma_start3A_155 = arith.constant 6656 : i32
    %dma_start3A_156 = tpu.memref_slice %arg7[%dma_start3A_155] : memref<8192xf32, #tpu.memory_space<vmem>> -> memref<512xf32, #tpu.memory_space<vmem>>
    tpu.enqueue_dma source(%dma_start3A_156 : memref<512xf32, #tpu.memory_space<vmem>>) target(%dma_start3A_154 : memref<512xf32, #tpu.memory_space<hbm>>) target_semaphore(%arg9 : memref<!tpu.dma_semaphore, #tpu.memory_space<semaphore_mem>>)
    %dma_start3A_157 = arith.constant 14 : i32
    %dma_start3A_158 = arith.constant 7168 : i32
    %dma_start3A_159 = tpu.memref_slice %arg7[%dma_start3A_158] : memref<8192xf32, #tpu.memory_space<vmem>> -> memref<512xf32, #tpu.memory_space<vmem>>
    %dma_start3A_160 = tpu.memref_slice %arg4[%dma_start3A_157, %mul3A_2] : memref<16x16384xf32, #tpu.memory_space<hbm>> -> memref<1x512xf32, #tpu.memory_space<hbm>>
    %dma_start3A_161 = tpu.memref_squeeze %dma_start3A_160 : memref<1x512xf32, #tpu.memory_space<hbm>> -> memref<512xf32, #tpu.memory_space<hbm>>
    %dma_start3A_162 = tpu.memref_slice %arg4[%dma_start3A_157, %mul3A_2] : memref<16x16384xf32, #tpu.memory_space<hbm>> -> memref<1x512xf32, #tpu.memory_space<hbm>>
    %dma_start3A_163 = tpu.memref_squeeze %dma_start3A_162 : memref<1x512xf32, #tpu.memory_space<hbm>> -> memref<512xf32, #tpu.memory_space<hbm>>
    %dma_start3A_164 = arith.constant 7168 : i32
    %dma_start3A_165 = tpu.memref_slice %arg7[%dma_start3A_164] : memref<8192xf32, #tpu.memory_space<vmem>> -> memref<512xf32, #tpu.memory_space<vmem>>
    tpu.enqueue_dma source(%dma_start3A_165 : memref<512xf32, #tpu.memory_space<vmem>>) target(%dma_start3A_163 : memref<512xf32, #tpu.memory_space<hbm>>) target_semaphore(%arg8 : memref<!tpu.dma_semaphore, #tpu.memory_space<semaphore_mem>>)
    %dma_start3A_166 = arith.constant 15 : i32
    %dma_start3A_167 = arith.constant 7680 : i32
    %dma_start3A_168 = tpu.memref_slice %arg7[%dma_start3A_167] : memref<8192xf32, #tpu.memory_space<vmem>> -> memref<512xf32, #tpu.memory_space<vmem>>
    %dma_start3A_169 = tpu.memref_slice %arg4[%dma_start3A_166, %mul3A_2] : memref<16x16384xf32, #tpu.memory_space<hbm>> -> memref<1x512xf32, #tpu.memory_space<hbm>>
    %dma_start3A_170 = tpu.memref_squeeze %dma_start3A_169 : memref<1x512xf32, #tpu.memory_space<hbm>> -> memref<512xf32, #tpu.memory_space<hbm>>
    %dma_start3A_171 = tpu.memref_slice %arg4[%dma_start3A_166, %mul3A_2] : memref<16x16384xf32, #tpu.memory_space<hbm>> -> memref<1x512xf32, #tpu.memory_space<hbm>>
    %dma_start3A_172 = tpu.memref_squeeze %dma_start3A_171 : memref<1x512xf32, #tpu.memory_space<hbm>> -> memref<512xf32, #tpu.memory_space<hbm>>
    %dma_start3A_173 = arith.constant 7680 : i32
    %dma_start3A_174 = tpu.memref_slice %arg7[%dma_start3A_173] : memref<8192xf32, #tpu.memory_space<vmem>> -> memref<512xf32, #tpu.memory_space<vmem>>
    tpu.enqueue_dma source(%dma_start3A_174 : memref<512xf32, #tpu.memory_space<vmem>>) target(%dma_start3A_172 : memref<512xf32, #tpu.memory_space<hbm>>) target_semaphore(%arg9 : memref<!tpu.dma_semaphore, #tpu.memory_space<semaphore_mem>>)
    %dma_wait3A_175 = arith.constant 0 : i32
    %dma_wait3A_176 = arith.constant 0 : i32
    %dma_wait3A_177 = tpu.memref_slice %arg7[%dma_wait3A_176] : memref<8192xf32, #tpu.memory_space<vmem>> -> memref<512xf32, #tpu.memory_space<vmem>>
    %dma_wait3A_178 = tpu.memref_slice %arg4[%dma_wait3A_175, %mul3A_2] : memref<16x16384xf32, #tpu.memory_space<hbm>> -> memref<1x512xf32, #tpu.memory_space<hbm>>
    %dma_wait3A_179 = tpu.memref_squeeze %dma_wait3A_178 : memref<1x512xf32, #tpu.memory_space<hbm>> -> memref<512xf32, #tpu.memory_space<hbm>>
    %dma_wait3A_180 = tpu.memref_slice %arg4[%dma_wait3A_175, %mul3A_2] : memref<16x16384xf32, #tpu.memory_space<hbm>> -> memref<1x512xf32, #tpu.memory_space<hbm>>
    %dma_wait3A_181 = tpu.memref_squeeze %dma_wait3A_180 : memref<1x512xf32, #tpu.memory_space<hbm>> -> memref<512xf32, #tpu.memory_space<hbm>>
    %dma_wait3A_182 = arith.constant 0 : i32
    %dma_wait3A_183 = tpu.memref_slice %arg7[%dma_wait3A_182] : memref<8192xf32, #tpu.memory_space<vmem>> -> memref<512xf32, #tpu.memory_space<vmem>>
    tpu.wait_dma2 semaphore(%arg8 : memref<!tpu.dma_semaphore, #tpu.memory_space<semaphore_mem>>) src(%dma_wait3A_183 : memref<512xf32, #tpu.memory_space<vmem>>) dst(%dma_wait3A_181 : memref<512xf32, #tpu.memory_space<hbm>>)
    %dma_wait3A_184 = arith.constant 1 : i32
    %dma_wait3A_185 = arith.constant 512 : i32
    %dma_wait3A_186 = tpu.memref_slice %arg7[%dma_wait3A_185] : memref<8192xf32, #tpu.memory_space<vmem>> -> memref<512xf32, #tpu.memory_space<vmem>>
    %dma_wait3A_187 = tpu.memref_slice %arg4[%dma_wait3A_184, %mul3A_2] : memref<16x16384xf32, #tpu.memory_space<hbm>> -> memref<1x512xf32, #tpu.memory_space<hbm>>
    %dma_wait3A_188 = tpu.memref_squeeze %dma_wait3A_187 : memref<1x512xf32, #tpu.memory_space<hbm>> -> memref<512xf32, #tpu.memory_space<hbm>>
    %dma_wait3A_189 = tpu.memref_slice %arg4[%dma_wait3A_184, %mul3A_2] : memref<16x16384xf32, #tpu.memory_space<hbm>> -> memref<1x512xf32, #tpu.memory_space<hbm>>
    %dma_wait3A_190 = tpu.memref_squeeze %dma_wait3A_189 : memref<1x512xf32, #tpu.memory_space<hbm>> -> memref<512xf32, #tpu.memory_space<hbm>>
    %dma_wait3A_191 = arith.constant 512 : i32
    %dma_wait3A_192 = tpu.memref_slice %arg7[%dma_wait3A_191] : memref<8192xf32, #tpu.memory_space<vmem>> -> memref<512xf32, #tpu.memory_space<vmem>>
    tpu.wait_dma2 semaphore(%arg9 : memref<!tpu.dma_semaphore, #tpu.memory_space<semaphore_mem>>) src(%dma_wait3A_192 : memref<512xf32, #tpu.memory_space<vmem>>) dst(%dma_wait3A_190 : memref<512xf32, #tpu.memory_space<hbm>>)
    %dma_wait3A_193 = arith.constant 2 : i32
    %dma_wait3A_194 = arith.constant 1024 : i32
    %dma_wait3A_195 = tpu.memref_slice %arg7[%dma_wait3A_194] : memref<8192xf32, #tpu.memory_space<vmem>> -> memref<512xf32, #tpu.memory_space<vmem>>
    %dma_wait3A_196 = tpu.memref_slice %arg4[%dma_wait3A_193, %mul3A_2] : memref<16x16384xf32, #tpu.memory_space<hbm>> -> memref<1x512xf32, #tpu.memory_space<hbm>>
    %dma_wait3A_197 = tpu.memref_squeeze %dma_wait3A_196 : memref<1x512xf32, #tpu.memory_space<hbm>> -> memref<512xf32, #tpu.memory_space<hbm>>
    %dma_wait3A_198 = tpu.memref_slice %arg4[%dma_wait3A_193, %mul3A_2] : memref<16x16384xf32, #tpu.memory_space<hbm>> -> memref<1x512xf32, #tpu.memory_space<hbm>>
    %dma_wait3A_199 = tpu.memref_squeeze %dma_wait3A_198 : memref<1x512xf32, #tpu.memory_space<hbm>> -> memref<512xf32, #tpu.memory_space<hbm>>
    %dma_wait3A_200 = arith.constant 1024 : i32
    %dma_wait3A_201 = tpu.memref_slice %arg7[%dma_wait3A_200] : memref<8192xf32, #tpu.memory_space<vmem>> -> memref<512xf32, #tpu.memory_space<vmem>>
    tpu.wait_dma2 semaphore(%arg8 : memref<!tpu.dma_semaphore, #tpu.memory_space<semaphore_mem>>) src(%dma_wait3A_201 : memref<512xf32, #tpu.memory_space<vmem>>) dst(%dma_wait3A_199 : memref<512xf32, #tpu.memory_space<hbm>>)
    %dma_wait3A_202 = arith.constant 3 : i32
    %dma_wait3A_203 = arith.constant 1536 : i32
    %dma_wait3A_204 = tpu.memref_slice %arg7[%dma_wait3A_203] : memref<8192xf32, #tpu.memory_space<vmem>> -> memref<512xf32, #tpu.memory_space<vmem>>
    %dma_wait3A_205 = tpu.memref_slice %arg4[%dma_wait3A_202, %mul3A_2] : memref<16x16384xf32, #tpu.memory_space<hbm>> -> memref<1x512xf32, #tpu.memory_space<hbm>>
    %dma_wait3A_206 = tpu.memref_squeeze %dma_wait3A_205 : memref<1x512xf32, #tpu.memory_space<hbm>> -> memref<512xf32, #tpu.memory_space<hbm>>
    %dma_wait3A_207 = tpu.memref_slice %arg4[%dma_wait3A_202, %mul3A_2] : memref<16x16384xf32, #tpu.memory_space<hbm>> -> memref<1x512xf32, #tpu.memory_space<hbm>>
    %dma_wait3A_208 = tpu.memref_squeeze %dma_wait3A_207 : memref<1x512xf32, #tpu.memory_space<hbm>> -> memref<512xf32, #tpu.memory_space<hbm>>
    %dma_wait3A_209 = arith.constant 1536 : i32
    %dma_wait3A_210 = tpu.memref_slice %arg7[%dma_wait3A_209] : memref<8192xf32, #tpu.memory_space<vmem>> -> memref<512xf32, #tpu.memory_space<vmem>>
    tpu.wait_dma2 semaphore(%arg9 : memref<!tpu.dma_semaphore, #tpu.memory_space<semaphore_mem>>) src(%dma_wait3A_210 : memref<512xf32, #tpu.memory_space<vmem>>) dst(%dma_wait3A_208 : memref<512xf32, #tpu.memory_space<hbm>>)
    %dma_wait3A_211 = arith.constant 4 : i32
    %dma_wait3A_212 = arith.constant 2048 : i32
    %dma_wait3A_213 = tpu.memref_slice %arg7[%dma_wait3A_212] : memref<8192xf32, #tpu.memory_space<vmem>> -> memref<512xf32, #tpu.memory_space<vmem>>
    %dma_wait3A_214 = tpu.memref_slice %arg4[%dma_wait3A_211, %mul3A_2] : memref<16x16384xf32, #tpu.memory_space<hbm>> -> memref<1x512xf32, #tpu.memory_space<hbm>>
    %dma_wait3A_215 = tpu.memref_squeeze %dma_wait3A_214 : memref<1x512xf32, #tpu.memory_space<hbm>> -> memref<512xf32, #tpu.memory_space<hbm>>
    %dma_wait3A_216 = tpu.memref_slice %arg4[%dma_wait3A_211, %mul3A_2] : memref<16x16384xf32, #tpu.memory_space<hbm>> -> memref<1x512xf32, #tpu.memory_space<hbm>>
    %dma_wait3A_217 = tpu.memref_squeeze %dma_wait3A_216 : memref<1x512xf32, #tpu.memory_space<hbm>> -> memref<512xf32, #tpu.memory_space<hbm>>
    %dma_wait3A_218 = arith.constant 2048 : i32
    %dma_wait3A_219 = tpu.memref_slice %arg7[%dma_wait3A_218] : memref<8192xf32, #tpu.memory_space<vmem>> -> memref<512xf32, #tpu.memory_space<vmem>>
    tpu.wait_dma2 semaphore(%arg8 : memref<!tpu.dma_semaphore, #tpu.memory_space<semaphore_mem>>) src(%dma_wait3A_219 : memref<512xf32, #tpu.memory_space<vmem>>) dst(%dma_wait3A_217 : memref<512xf32, #tpu.memory_space<hbm>>)
    %dma_wait3A_220 = arith.constant 5 : i32
    %dma_wait3A_221 = arith.constant 2560 : i32
    %dma_wait3A_222 = tpu.memref_slice %arg7[%dma_wait3A_221] : memref<8192xf32, #tpu.memory_space<vmem>> -> memref<512xf32, #tpu.memory_space<vmem>>
    %dma_wait3A_223 = tpu.memref_slice %arg4[%dma_wait3A_220, %mul3A_2] : memref<16x16384xf32, #tpu.memory_space<hbm>> -> memref<1x512xf32, #tpu.memory_space<hbm>>
    %dma_wait3A_224 = tpu.memref_squeeze %dma_wait3A_223 : memref<1x512xf32, #tpu.memory_space<hbm>> -> memref<512xf32, #tpu.memory_space<hbm>>
    %dma_wait3A_225 = tpu.memref_slice %arg4[%dma_wait3A_220, %mul3A_2] : memref<16x16384xf32, #tpu.memory_space<hbm>> -> memref<1x512xf32, #tpu.memory_space<hbm>>
    %dma_wait3A_226 = tpu.memref_squeeze %dma_wait3A_225 : memref<1x512xf32, #tpu.memory_space<hbm>> -> memref<512xf32, #tpu.memory_space<hbm>>
    %dma_wait3A_227 = arith.constant 2560 : i32
    %dma_wait3A_228 = tpu.memref_slice %arg7[%dma_wait3A_227] : memref<8192xf32, #tpu.memory_space<vmem>> -> memref<512xf32, #tpu.memory_space<vmem>>
    tpu.wait_dma2 semaphore(%arg9 : memref<!tpu.dma_semaphore, #tpu.memory_space<semaphore_mem>>) src(%dma_wait3A_228 : memref<512xf32, #tpu.memory_space<vmem>>) dst(%dma_wait3A_226 : memref<512xf32, #tpu.memory_space<hbm>>)
    %dma_wait3A_229 = arith.constant 6 : i32
    %dma_wait3A_230 = arith.constant 3072 : i32
    %dma_wait3A_231 = tpu.memref_slice %arg7[%dma_wait3A_230] : memref<8192xf32, #tpu.memory_space<vmem>> -> memref<512xf32, #tpu.memory_space<vmem>>
    %dma_wait3A_232 = tpu.memref_slice %arg4[%dma_wait3A_229, %mul3A_2] : memref<16x16384xf32, #tpu.memory_space<hbm>> -> memref<1x512xf32, #tpu.memory_space<hbm>>
    %dma_wait3A_233 = tpu.memref_squeeze %dma_wait3A_232 : memref<1x512xf32, #tpu.memory_space<hbm>> -> memref<512xf32, #tpu.memory_space<hbm>>
    %dma_wait3A_234 = tpu.memref_slice %arg4[%dma_wait3A_229, %mul3A_2] : memref<16x16384xf32, #tpu.memory_space<hbm>> -> memref<1x512xf32, #tpu.memory_space<hbm>>
    %dma_wait3A_235 = tpu.memref_squeeze %dma_wait3A_234 : memref<1x512xf32, #tpu.memory_space<hbm>> -> memref<512xf32, #tpu.memory_space<hbm>>
    %dma_wait3A_236 = arith.constant 3072 : i32
    %dma_wait3A_237 = tpu.memref_slice %arg7[%dma_wait3A_236] : memref<8192xf32, #tpu.memory_space<vmem>> -> memref<512xf32, #tpu.memory_space<vmem>>
    tpu.wait_dma2 semaphore(%arg8 : memref<!tpu.dma_semaphore, #tpu.memory_space<semaphore_mem>>) src(%dma_wait3A_237 : memref<512xf32, #tpu.memory_space<vmem>>) dst(%dma_wait3A_235 : memref<512xf32, #tpu.memory_space<hbm>>)
    %dma_wait3A_238 = arith.constant 7 : i32
    %dma_wait3A_239 = arith.constant 3584 : i32
    %dma_wait3A_240 = tpu.memref_slice %arg7[%dma_wait3A_239] : memref<8192xf32, #tpu.memory_space<vmem>> -> memref<512xf32, #tpu.memory_space<vmem>>
    %dma_wait3A_241 = tpu.memref_slice %arg4[%dma_wait3A_238, %mul3A_2] : memref<16x16384xf32, #tpu.memory_space<hbm>> -> memref<1x512xf32, #tpu.memory_space<hbm>>
    %dma_wait3A_242 = tpu.memref_squeeze %dma_wait3A_241 : memref<1x512xf32, #tpu.memory_space<hbm>> -> memref<512xf32, #tpu.memory_space<hbm>>
    %dma_wait3A_243 = tpu.memref_slice %arg4[%dma_wait3A_238, %mul3A_2] : memref<16x16384xf32, #tpu.memory_space<hbm>> -> memref<1x512xf32, #tpu.memory_space<hbm>>
    %dma_wait3A_244 = tpu.memref_squeeze %dma_wait3A_243 : memref<1x512xf32, #tpu.memory_space<hbm>> -> memref<512xf32, #tpu.memory_space<hbm>>
    %dma_wait3A_245 = arith.constant 3584 : i32
    %dma_wait3A_246 = tpu.memref_slice %arg7[%dma_wait3A_245] : memref<8192xf32, #tpu.memory_space<vmem>> -> memref<512xf32, #tpu.memory_space<vmem>>
    tpu.wait_dma2 semaphore(%arg9 : memref<!tpu.dma_semaphore, #tpu.memory_space<semaphore_mem>>) src(%dma_wait3A_246 : memref<512xf32, #tpu.memory_space<vmem>>) dst(%dma_wait3A_244 : memref<512xf32, #tpu.memory_space<hbm>>)
    %dma_wait3A_247 = arith.constant 8 : i32
    %dma_wait3A_248 = arith.constant 4096 : i32
    %dma_wait3A_249 = tpu.memref_slice %arg7[%dma_wait3A_248] : memref<8192xf32, #tpu.memory_space<vmem>> -> memref<512xf32, #tpu.memory_space<vmem>>
    %dma_wait3A_250 = tpu.memref_slice %arg4[%dma_wait3A_247, %mul3A_2] : memref<16x16384xf32, #tpu.memory_space<hbm>> -> memref<1x512xf32, #tpu.memory_space<hbm>>
    %dma_wait3A_251 = tpu.memref_squeeze %dma_wait3A_250 : memref<1x512xf32, #tpu.memory_space<hbm>> -> memref<512xf32, #tpu.memory_space<hbm>>
    %dma_wait3A_252 = tpu.memref_slice %arg4[%dma_wait3A_247, %mul3A_2] : memref<16x16384xf32, #tpu.memory_space<hbm>> -> memref<1x512xf32, #tpu.memory_space<hbm>>
    %dma_wait3A_253 = tpu.memref_squeeze %dma_wait3A_252 : memref<1x512xf32, #tpu.memory_space<hbm>> -> memref<512xf32, #tpu.memory_space<hbm>>
    %dma_wait3A_254 = arith.constant 4096 : i32
    %dma_wait3A_255 = tpu.memref_slice %arg7[%dma_wait3A_254] : memref<8192xf32, #tpu.memory_space<vmem>> -> memref<512xf32, #tpu.memory_space<vmem>>
    tpu.wait_dma2 semaphore(%arg8 : memref<!tpu.dma_semaphore, #tpu.memory_space<semaphore_mem>>) src(%dma_wait3A_255 : memref<512xf32, #tpu.memory_space<vmem>>) dst(%dma_wait3A_253 : memref<512xf32, #tpu.memory_space<hbm>>)
    %dma_wait3A_256 = arith.constant 9 : i32
    %dma_wait3A_257 = arith.constant 4608 : i32
    %dma_wait3A_258 = tpu.memref_slice %arg7[%dma_wait3A_257] : memref<8192xf32, #tpu.memory_space<vmem>> -> memref<512xf32, #tpu.memory_space<vmem>>
    %dma_wait3A_259 = tpu.memref_slice %arg4[%dma_wait3A_256, %mul3A_2] : memref<16x16384xf32, #tpu.memory_space<hbm>> -> memref<1x512xf32, #tpu.memory_space<hbm>>
    %dma_wait3A_260 = tpu.memref_squeeze %dma_wait3A_259 : memref<1x512xf32, #tpu.memory_space<hbm>> -> memref<512xf32, #tpu.memory_space<hbm>>
    %dma_wait3A_261 = tpu.memref_slice %arg4[%dma_wait3A_256, %mul3A_2] : memref<16x16384xf32, #tpu.memory_space<hbm>> -> memref<1x512xf32, #tpu.memory_space<hbm>>
    %dma_wait3A_262 = tpu.memref_squeeze %dma_wait3A_261 : memref<1x512xf32, #tpu.memory_space<hbm>> -> memref<512xf32, #tpu.memory_space<hbm>>
    %dma_wait3A_263 = arith.constant 4608 : i32
    %dma_wait3A_264 = tpu.memref_slice %arg7[%dma_wait3A_263] : memref<8192xf32, #tpu.memory_space<vmem>> -> memref<512xf32, #tpu.memory_space<vmem>>
    tpu.wait_dma2 semaphore(%arg9 : memref<!tpu.dma_semaphore, #tpu.memory_space<semaphore_mem>>) src(%dma_wait3A_264 : memref<512xf32, #tpu.memory_space<vmem>>) dst(%dma_wait3A_262 : memref<512xf32, #tpu.memory_space<hbm>>)
    %dma_wait3A_265 = arith.constant 10 : i32
    %dma_wait3A_266 = arith.constant 5120 : i32
    %dma_wait3A_267 = tpu.memref_slice %arg7[%dma_wait3A_266] : memref<8192xf32, #tpu.memory_space<vmem>> -> memref<512xf32, #tpu.memory_space<vmem>>
    %dma_wait3A_268 = tpu.memref_slice %arg4[%dma_wait3A_265, %mul3A_2] : memref<16x16384xf32, #tpu.memory_space<hbm>> -> memref<1x512xf32, #tpu.memory_space<hbm>>
    %dma_wait3A_269 = tpu.memref_squeeze %dma_wait3A_268 : memref<1x512xf32, #tpu.memory_space<hbm>> -> memref<512xf32, #tpu.memory_space<hbm>>
    %dma_wait3A_270 = tpu.memref_slice %arg4[%dma_wait3A_265, %mul3A_2] : memref<16x16384xf32, #tpu.memory_space<hbm>> -> memref<1x512xf32, #tpu.memory_space<hbm>>
    %dma_wait3A_271 = tpu.memref_squeeze %dma_wait3A_270 : memref<1x512xf32, #tpu.memory_space<hbm>> -> memref<512xf32, #tpu.memory_space<hbm>>
    %dma_wait3A_272 = arith.constant 5120 : i32
    %dma_wait3A_273 = tpu.memref_slice %arg7[%dma_wait3A_272] : memref<8192xf32, #tpu.memory_space<vmem>> -> memref<512xf32, #tpu.memory_space<vmem>>
    tpu.wait_dma2 semaphore(%arg8 : memref<!tpu.dma_semaphore, #tpu.memory_space<semaphore_mem>>) src(%dma_wait3A_273 : memref<512xf32, #tpu.memory_space<vmem>>) dst(%dma_wait3A_271 : memref<512xf32, #tpu.memory_space<hbm>>)
    %dma_wait3A_274 = arith.constant 11 : i32
    %dma_wait3A_275 = arith.constant 5632 : i32
    %dma_wait3A_276 = tpu.memref_slice %arg7[%dma_wait3A_275] : memref<8192xf32, #tpu.memory_space<vmem>> -> memref<512xf32, #tpu.memory_space<vmem>>
    %dma_wait3A_277 = tpu.memref_slice %arg4[%dma_wait3A_274, %mul3A_2] : memref<16x16384xf32, #tpu.memory_space<hbm>> -> memref<1x512xf32, #tpu.memory_space<hbm>>
    %dma_wait3A_278 = tpu.memref_squeeze %dma_wait3A_277 : memref<1x512xf32, #tpu.memory_space<hbm>> -> memref<512xf32, #tpu.memory_space<hbm>>
    %dma_wait3A_279 = tpu.memref_slice %arg4[%dma_wait3A_274, %mul3A_2] : memref<16x16384xf32, #tpu.memory_space<hbm>> -> memref<1x512xf32, #tpu.memory_space<hbm>>
    %dma_wait3A_280 = tpu.memref_squeeze %dma_wait3A_279 : memref<1x512xf32, #tpu.memory_space<hbm>> -> memref<512xf32, #tpu.memory_space<hbm>>
    %dma_wait3A_281 = arith.constant 5632 : i32
    %dma_wait3A_282 = tpu.memref_slice %arg7[%dma_wait3A_281] : memref<8192xf32, #tpu.memory_space<vmem>> -> memref<512xf32, #tpu.memory_space<vmem>>
    tpu.wait_dma2 semaphore(%arg9 : memref<!tpu.dma_semaphore, #tpu.memory_space<semaphore_mem>>) src(%dma_wait3A_282 : memref<512xf32, #tpu.memory_space<vmem>>) dst(%dma_wait3A_280 : memref<512xf32, #tpu.memory_space<hbm>>)
    %dma_wait3A_283 = arith.constant 12 : i32
    %dma_wait3A_284 = arith.constant 6144 : i32
    %dma_wait3A_285 = tpu.memref_slice %arg7[%dma_wait3A_284] : memref<8192xf32, #tpu.memory_space<vmem>> -> memref<512xf32, #tpu.memory_space<vmem>>
    %dma_wait3A_286 = tpu.memref_slice %arg4[%dma_wait3A_283, %mul3A_2] : memref<16x16384xf32, #tpu.memory_space<hbm>> -> memref<1x512xf32, #tpu.memory_space<hbm>>
    %dma_wait3A_287 = tpu.memref_squeeze %dma_wait3A_286 : memref<1x512xf32, #tpu.memory_space<hbm>> -> memref<512xf32, #tpu.memory_space<hbm>>
    %dma_wait3A_288 = tpu.memref_slice %arg4[%dma_wait3A_283, %mul3A_2] : memref<16x16384xf32, #tpu.memory_space<hbm>> -> memref<1x512xf32, #tpu.memory_space<hbm>>
    %dma_wait3A_289 = tpu.memref_squeeze %dma_wait3A_288 : memref<1x512xf32, #tpu.memory_space<hbm>> -> memref<512xf32, #tpu.memory_space<hbm>>
    %dma_wait3A_290 = arith.constant 6144 : i32
    %dma_wait3A_291 = tpu.memref_slice %arg7[%dma_wait3A_290] : memref<8192xf32, #tpu.memory_space<vmem>> -> memref<512xf32, #tpu.memory_space<vmem>>
    tpu.wait_dma2 semaphore(%arg8 : memref<!tpu.dma_semaphore, #tpu.memory_space<semaphore_mem>>) src(%dma_wait3A_291 : memref<512xf32, #tpu.memory_space<vmem>>) dst(%dma_wait3A_289 : memref<512xf32, #tpu.memory_space<hbm>>)
    %dma_wait3A_292 = arith.constant 13 : i32
    %dma_wait3A_293 = arith.constant 6656 : i32
    %dma_wait3A_294 = tpu.memref_slice %arg7[%dma_wait3A_293] : memref<8192xf32, #tpu.memory_space<vmem>> -> memref<512xf32, #tpu.memory_space<vmem>>
    %dma_wait3A_295 = tpu.memref_slice %arg4[%dma_wait3A_292, %mul3A_2] : memref<16x16384xf32, #tpu.memory_space<hbm>> -> memref<1x512xf32, #tpu.memory_space<hbm>>
    %dma_wait3A_296 = tpu.memref_squeeze %dma_wait3A_295 : memref<1x512xf32, #tpu.memory_space<hbm>> -> memref<512xf32, #tpu.memory_space<hbm>>
    %dma_wait3A_297 = tpu.memref_slice %arg4[%dma_wait3A_292, %mul3A_2] : memref<16x16384xf32, #tpu.memory_space<hbm>> -> memref<1x512xf32, #tpu.memory_space<hbm>>
    %dma_wait3A_298 = tpu.memref_squeeze %dma_wait3A_297 : memref<1x512xf32, #tpu.memory_space<hbm>> -> memref<512xf32, #tpu.memory_space<hbm>>
    %dma_wait3A_299 = arith.constant 6656 : i32
    %dma_wait3A_300 = tpu.memref_slice %arg7[%dma_wait3A_299] : memref<8192xf32, #tpu.memory_space<vmem>> -> memref<512xf32, #tpu.memory_space<vmem>>
    tpu.wait_dma2 semaphore(%arg9 : memref<!tpu.dma_semaphore, #tpu.memory_space<semaphore_mem>>) src(%dma_wait3A_300 : memref<512xf32, #tpu.memory_space<vmem>>) dst(%dma_wait3A_298 : memref<512xf32, #tpu.memory_space<hbm>>)
    %dma_wait3A_301 = arith.constant 14 : i32
    %dma_wait3A_302 = arith.constant 7168 : i32
    %dma_wait3A_303 = tpu.memref_slice %arg7[%dma_wait3A_302] : memref<8192xf32, #tpu.memory_space<vmem>> -> memref<512xf32, #tpu.memory_space<vmem>>
    %dma_wait3A_304 = tpu.memref_slice %arg4[%dma_wait3A_301, %mul3A_2] : memref<16x16384xf32, #tpu.memory_space<hbm>> -> memref<1x512xf32, #tpu.memory_space<hbm>>
    %dma_wait3A_305 = tpu.memref_squeeze %dma_wait3A_304 : memref<1x512xf32, #tpu.memory_space<hbm>> -> memref<512xf32, #tpu.memory_space<hbm>>
    %dma_wait3A_306 = tpu.memref_slice %arg4[%dma_wait3A_301, %mul3A_2] : memref<16x16384xf32, #tpu.memory_space<hbm>> -> memref<1x512xf32, #tpu.memory_space<hbm>>
    %dma_wait3A_307 = tpu.memref_squeeze %dma_wait3A_306 : memref<1x512xf32, #tpu.memory_space<hbm>> -> memref<512xf32, #tpu.memory_space<hbm>>
    %dma_wait3A_308 = arith.constant 7168 : i32
    %dma_wait3A_309 = tpu.memref_slice %arg7[%dma_wait3A_308] : memref<8192xf32, #tpu.memory_space<vmem>> -> memref<512xf32, #tpu.memory_space<vmem>>
    tpu.wait_dma2 semaphore(%arg8 : memref<!tpu.dma_semaphore, #tpu.memory_space<semaphore_mem>>) src(%dma_wait3A_309 : memref<512xf32, #tpu.memory_space<vmem>>) dst(%dma_wait3A_307 : memref<512xf32, #tpu.memory_space<hbm>>)
    %dma_wait3A_310 = arith.constant 15 : i32
    %dma_wait3A_311 = arith.constant 7680 : i32
    %dma_wait3A_312 = tpu.memref_slice %arg7[%dma_wait3A_311] : memref<8192xf32, #tpu.memory_space<vmem>> -> memref<512xf32, #tpu.memory_space<vmem>>
    %dma_wait3A_313 = tpu.memref_slice %arg4[%dma_wait3A_310, %mul3A_2] : memref<16x16384xf32, #tpu.memory_space<hbm>> -> memref<1x512xf32, #tpu.memory_space<hbm>>
    %dma_wait3A_314 = tpu.memref_squeeze %dma_wait3A_313 : memref<1x512xf32, #tpu.memory_space<hbm>> -> memref<512xf32, #tpu.memory_space<hbm>>
    %dma_wait3A_315 = tpu.memref_slice %arg4[%dma_wait3A_310, %mul3A_2] : memref<16x16384xf32, #tpu.memory_space<hbm>> -> memref<1x512xf32, #tpu.memory_space<hbm>>
    %dma_wait3A_316 = tpu.memref_squeeze %dma_wait3A_315 : memref<1x512xf32, #tpu.memory_space<hbm>> -> memref<512xf32, #tpu.memory_space<hbm>>
    %dma_wait3A_317 = arith.constant 7680 : i32
    %dma_wait3A_318 = tpu.memref_slice %arg7[%dma_wait3A_317] : memref<8192xf32, #tpu.memory_space<vmem>> -> memref<512xf32, #tpu.memory_space<vmem>>
    tpu.wait_dma2 semaphore(%arg9 : memref<!tpu.dma_semaphore, #tpu.memory_space<semaphore_mem>>) src(%dma_wait3A_318 : memref<512xf32, #tpu.memory_space<vmem>>) dst(%dma_wait3A_316 : memref<512xf32, #tpu.memory_space<hbm>>)
    return
  }
}

</mosaic_0001>

<sc_bundles>
// kernel: _sc_gather.3.cloned.1.call-start
scs
__scs_entry_jumppad:
0x0: {  	(pc) =	sbr.rel $0x88, $3  }
0x1: {  	(tag) =	ssettag $0x0;
	lr =	simm.s32 $0x1  }
0x2: {  	[smem:$0x3F9F] =	sst lr;
	_ =	strace $0xD0000000  }
0x3: {  	_ = 	snop  }
0x4: {  	_ = 	snop  }
0x5: {  	_ = 	snop  }
0x6: {  	_ = 	snop  }
0x7: {  	_ = 	snop  }
__scs_overlays_trampoline_lowered:
0x8: {  	[smem:$0x3FAE] =	sst s0  }
0x9: {  	[smem:$0x3FAF] =	sst s1  }
0xa: {  	[smem:$0x3FB0] =	sst s2  }
0xb: {  	[smem:$0x3FB1] =	sst s3  }
0xc: {  	[smem:$0x3FB2] =	sst s4  }
0xd: {  	[smem:$0x3FB3] =	sst s5  }
0xe: {  	[smem:$0x3FB4] =	sst s6  }
0xf: {  	[smem:$0x3FB5] =	sst s7  }
0x10: {  	[smem:$0x3FB6] =	sst s8  }
0x11: {  	[smem:$0x3FB7] =	sst s9;
	s0 =	simm.s32 @!p0 $0x0  }
0x12: {  	s1 =	sld [smem:$0x3F9D];
	s0 =	simm.s32 @p0 $0x1  }
0x13: {  	[smem:$0x3FB8] =	sst s0;
	s0 =	simm.s32 @!p1 $0x0  }
0x14: {  	s2 =	sld [smem:$0x3F9C];
	s0 =	simm.s32 @p1 $0x1  }
0x15: {  	[smem:$0x3FB9] =	sst s0;
	s0 =	simm.s32 @!p2 $0x0  }
0x16: {  	s3 =	sld [smem:$0x3FDB];
	s0 =	simm.s32 @p2 $0x1  }
0x17: {  	s4 =	simm.s32 $0x1BF5;
	[smem:$0x3FBB] =	sst s0  }
0x18: {  	s0 =	sld [smem:$0x3F9E];
	_ =	swait.ge [sflag:s4], $0x0  }
0x19: {  	s7 =	sld [smem:$0x3F9F]  }
0x1a: {  	s8 =	sadd.s32 $0xFFFFE003, lr  }
0x1b: {  	s9 =	sadd.s32 $0xFFFFFEF7, lr;
	s5 =	simm.s32 $0xFFFFFFFF;
	p2 =	slt.u32 s8, $0xFFFFF086  }
0x1c: {  	p1 =	slt.u32 s9, $0xF7A;
	s5 =	simm.s32 @!p2 $0x0  }
0x1d: {  	s5 =	simm.s32 @p1 $0x1;
	p0 =	seq.s32 s7, s2  }
0x1e: {  	s7 =	smul.u32 @!p0 $0xF7A, s2;
	p2 =	seq.s32 @!p0 s5, $0x0  }
0x1f: {  	s9 =	smul.u32 $0xF7A, s1;
	s8 =	simm.s32 @!p0 $0x1BF5;
	p2 =	por !p2, p0  }
0x20: {  	[sflag:s8] =	ssyncset.s32 @!p0 $0xFFFFF086;
	s6 =	sadd.s32 @!p0 s3, s7;
	s7 =	simm.s32 @!p0 $0x108  }
0x21: {  	s3 =	sadd.s32 s3, s9;
	s6 =	sadd.s32 @!p0 $0x88, s6;
	s7 =	simm.s32 @p2 $0x1082  }
0x22: {  	[simem:s7], [sflag:s8] =	dma.local @!p0 [hbm:s6], $0xF7A  }
0x23: {  	s9 =	sor.u32 $0xD0000000, s2;
	s6 =	simm.s32 $0x108;
	_ =	swait.ge @!p0 [sflag:s8], $0x0  }
0x24: {  	s3 =	sadd.s32 $0x88, s3;
	s6 =	simm.s32 @!p1 $0x1082;
	[sflag:s4] =	ssyncset.s32 $0xFFFFF086  }
0x25: {  	[simem:s6], [sflag:s4] =	dma.local [hbm:s3], $0xF7A  }
0x26: {  	[smem:$0x3F9F] =	sst s1;
	(tag) =	ssettag s2;
	_ =	strace s9  }
0x27: {  	s1 =	sld [smem:$0x3FAF]  }
0x28: {  	s2 =	sld [smem:$0x3FB0]  }
0x29: {  	s4 =	sld [smem:$0x3FB2]  }
0x2a: {  	p0 =	seq.s32 s5, $0x0;
	s5 =	sld [smem:$0x3FB3]  }
0x2b: {  	s6 =	sld [smem:$0x3FB4]  }
0x2c: {  	s7 =	sld [smem:$0x3FB5]  }
0x2d: {  	s3 =	simm.s32 $0x108;
	s8 =	sld [smem:$0x3FB6]  }
0x2e: {  	s3 =	simm.s32 @!p0 $0x1082;
	s9 =	sld [smem:$0x3FB7]  }
0x2f: {  	lr =	sadd.s32 s0, s3;
	s0 =	sld [smem:$0x3FAE]  }
0x30: {  	s3 =	sld [smem:$0x3FB1]  }
0x31: {  	[smem:$0x3FBA] =	sst s10  }
0x32: {  	s10 =	sld [smem:$0x3FB8];
	_ =	sdelay $0x3  }
0x33: {  	p0 =	seq.s32 s10, $0x1;
	s10 =	sld [smem:$0x3FBA];
	_ =	sdelay $0x3  }
0x34: {  	[smem:$0x3FBA] =	sst s10  }
0x35: {  	s10 =	sld [smem:$0x3FB9];
	_ =	sdelay $0x3  }
0x36: {  	p1 =	seq.s32 s10, $0x1;
	s10 =	sld [smem:$0x3FBA];
	_ =	sdelay $0x3  }
0x37: {  	[smem:$0x3FBA] =	sst s10  }
0x38: {  	s10 =	sld [smem:$0x3FBB]  }
0x39: {  	_ = 	snop;
	(pc) =	sbr.ind lr, $3  }
0x3a: {  	_ = 	snop  }
0x3b: {  	_ = 	snop  }
0x3c: {  	p2 =	seq.s32 s10, $0x1;
	s10 =	sld [smem:$0x3FBA]  }
0x3d: {  	_ =	shalt  }
0x3e: {  	_ =	shalt  }
0x3f: {  	_ =	shalt  }
0x40: {  	_ =	shalt  }
0x41: {  	_ =	shalt  }
0x42: {  	_ =	shalt  }
0x43: {  	_ =	shalt  }
0x44: {  	_ =	shalt  }
0x45: {  	_ =	shalt  }
0x46: {  	_ =	shalt  }
0x47: {  	_ =	shalt  }
0x48: {  	_ =	shalt  }
0x49: {  	_ =	shalt  }
0x4a: {  	_ =	shalt  }
0x4b: {  	_ =	shalt  }
0x4c: {  	_ =	shalt  }
0x4d: {  	_ =	shalt  }
0x4e: {  	_ =	shalt  }
0x4f: {  	_ =	shalt  }
0x50: {  	_ =	shalt  }
0x51: {  	_ =	shalt  }
0x52: {  	_ =	shalt  }
0x53: {  	_ =	shalt  }
0x54: {  	_ =	shalt  }
0x55: {  	_ =	shalt  }
0x56: {  	_ =	shalt  }
0x57: {  	_ =	shalt  }
0x58: {  	_ =	shalt  }
0x59: {  	_ =	shalt  }
0x5a: {  	_ =	shalt  }
0x5b: {  	_ =	shalt  }
0x5c: {  	_ =	shalt  }
0x5d: {  	_ =	shalt  }
0x5e: {  	_ =	shalt  }
0x5f: {  	_ =	shalt  }
0x60: {  	_ =	shalt  }
0x61: {  	_ =	shalt  }
0x62: {  	_ =	shalt  }
0x63: {  	_ =	shalt  }
0x64: {  	_ =	shalt  }
0x65: {  	_ =	shalt  }
0x66: {  	_ =	shalt  }
0x67: {  	_ =	shalt  }
0x68: {  	_ =	shalt  }
0x69: {  	_ =	shalt  }
0x6a: {  	_ =	shalt  }
0x6b: {  	_ =	shalt  }
0x6c: {  	_ =	shalt  }
0x6d: {  	_ =	shalt  }
0x6e: {  	_ =	shalt  }
0x6f: {  	_ =	shalt  }
0x70: {  	_ =	shalt  }
0x71: {  	_ =	shalt  }
0x72: {  	_ =	shalt  }
0x73: {  	_ =	shalt  }
0x74: {  	_ =	shalt  }
0x75: {  	_ =	shalt  }
0x76: {  	_ =	shalt  }
0x77: {  	_ =	shalt  }
0x78: {  	_ =	shalt  }
0x79: {  	_ =	shalt  }
0x7a: {  	_ =	shalt  }
0x7b: {  	_ =	shalt  }
0x7c: {  	_ =	shalt  }
0x7d: {  	_ =	shalt  }
0x7e: {  	_ =	shalt  }
0x7f: {  	_ =	shalt  }
0x80: {  	_ =	shalt  }
0x81: {  	_ =	shalt  }
0x82: {  	_ =	shalt  }
0x83: {  	_ =	shalt  }
0x84: {  	_ =	shalt  }
0x85: {  	_ =	shalt  }
0x86: {  	_ =	shalt  }
0x87: {  	_ =	shalt  }
.Lfunc_end0:
.L_simem_size_0:
called_computation_lowered:
.L_overlay_start_0:
0x88: {  	s2 =	sld [smem:$0x3FD9]  }
0x89: {  	s3 =	sld [smem:$0x3FFE];
	_ =	sdelay $0x1  }
0x8a: {  	s1 =	srdreg.scid  }
0x8b: {  	s0 =	sand.u32 $0x1, s1  }
0x8c: {  	s17 =	sshll.u32 s0, $0xA;
	s2 =	sadd.s32 s3, s2  }
0x8d: {  	s2 =	sadd.s32 s2, s17  }
0x8e: {  	[smem:$0x3FC6] =	sst s2  }
0x8f: {  	_ = 	snop  }
0x90: {  	s2 =	sld [smem:$0x3FC9]  }
0x91: {  	s18 =	sld [smem:$0x3FC8];
	(tm) =	ssettm $0x1  }
0x92: {  	s4 =	sld [smem:$0x3FFB];
	_ =	sdelay $0x3  }
0x93: {  	_ =	strace s4  }
0x94: {  	s4 =	sld [smem:$0x3FFC];
	_ =	sdelay $0x3  }
0x95: {  	_ =	strace s4  }
0x96: {  	s4 =	sld [smem:$0x3FFD];
	_ =	sdelay $0x3  }
0x97: {  	_ =	strace s4  }
0x98: {  	_ =	strace $0x8FFFFFFF  }
0x99: {  	s19 =	sld [smem:$0x3FDB];
	_ =	sdelay $0x1  }
0x9a: {  	s5 =	simm.s32 $_scs_section_size  }
0x9b: {  	s6 =	simm.s32 $_size__tile_overlayer_lowered;
	s7 =	simm.s32 $_tile_overlayer_lowered  }
0x9c: {  	s22 =	simm.s32 $0x1BFF;
	s21 =	sshll.u32 s7, $0x1;
	s4 =	sadd.s32 s5, s19  }
0x9d: {  	s8 =	simm.s32 $0x0;
	s20 =	sshll.u32 s6, $0x1;
	s6 =	sadd.s32 s21, s4  }
0x9e: {  	[timem:s8], [sflag:s22] =	dma.local [hbm:s6], s20  }
0x9f: {  	_ =	swait.ge [sflag:s22], s20  }
0xa0: {  	s5 =	ssub.s32 $0x0, s20;
	[sflag:s22] =	ssyncset.done $0x0  }
0xa1: {  	[sflag:s22] =	ssyncadd.s32 s5;
	_ =	sdelay $0x1  }
0xa2: {  	s23 =	simm.s32 $0x1B8B  }
0xa3: {  	_ =	swait.ge [sflag:s23], $0x1  }
0xa4: {  	[sflag:s23] =	ssyncset.done $0x0  }
0xa5: {  	s25 =	simm.s32 $0x1B8E;
	s24 =	sld [smem:$0x3FFE];
	[sflag:s23] =	ssyncadd.s32 $0xFFFFFFFF  }
0xa6: {  	s26 =	simm.s32 $execute0_lowered;
	[smem:$0x3FD2] =	sst s25  }
0xa7: {  	s6 =	sshll.u32 s26, $0x1;
	_ =	strace $0x80000046;
	[dreg:$0x1] =	wrdreg $0xFFFFFFFF  }
0xa8: {  	s28 =	simm.s32 $_size_execute0_lowered;
	s4 =	sadd.s32 s4, s6;
	[dreg:$0x0] =	wrdreg $0x0  }
0xa9: {  	s6 =	sshll.u32 s28, $0x1;
	[dreg:$0x2] =	wrdreg s4  }
0xaa: {  	[dreg:$0x3] =	wrdreg s6  }
0xab: {  	[dreg:$0x4] =	wrdreg $0xC0  }
0xac: {  	_ =	task [dreg:s8], $0x5FFFF  }
0xad: {  	[dreg:$0x1] =	wrdreg $0xFFFFFFFF  }
0xae: {  	[dreg:$0x0] =	wrdreg $0x60  }
0xaf: {  	[dreg:$0x2] =	wrdreg s2  }
0xb0: {  	[dreg:$0x3] =	wrdreg s18  }
0xb1: {  	[dreg:$0x4] =	wrdreg s24  }
0xb2: {  	[dreg:$0x5] =	wrdreg $0x9  }
0xb3: {  	_ =	task.clear_ibuf [dreg:s8], $0x6FFFF;
	_ =	strace $0x90000046  }
0xb4: {  	s29 =	simm.s32 $0x9;
	_ =	strace $0x80000048  }
0xb5: {  	_ =	swait.ge [sflag:s29], $0x1  }
0xb6: {  	[sflag:s29] =	ssyncadd.s32 $0xFFFFFFFF  }
0xb7: {  	_ =	strace $0x90000048  }
0xb8: {  	_ =	sfence  }
0xb9: {  	s30 =	sld [smem:$0x0];
	_ =	sdelay $0x2  }
0xba: {  	s31 =	sshll.u32 s1, $0xD;
	s1 =	sshrl.u32 s1, $0x2  }
0xbb: {  	s3 =	sand.u32 $0x4000, s31;
	s1 =	sadd.s32 s1, s30  }
0xbc: {  	s0 =	sor.u32 s3, s0;
	s1 =	sshll.u32 s1, $0x11  }
0xbd: {  	s0 =	sor.u32 s1, s0  }
0xbe: {  	s0 =	sadd.s32 $0x8F2B, s0  }
0xbf: {  	[sflag:s0] =	ssyncadd.remote.s32 $0x1  }
0xc0: {  	_ =	sfence.sel $0xFFFF  }
0xc1: {  	[dreg:$0x0] =	wrdreg $0xFFFFFFFF;
	(pc) =	sbr.abs _section_cstart, $3  }
0xc2: {  	[dreg:$0x1] =	wrdreg $0xFFFFFFFF  }
0xc3: {  	_ =	task.clear_ibuf [dreg:s8], $0x2FFFF;
	_ =	strace $0x9FFFFFFF  }
0xc4: {  	(tm) =	ssettm $0x7FFFFFFF  }
0xc5: {  	_ =	shalt  }
tec
execute0_lowered:
.L_overlay_start_1:
0x0: {  	(tag) =	ssettag $0x1  }
0x1: {  	s1 =	rddreg [dreg:$0x0]  }
0x2: {  	s0 =	rddreg [dreg:$0x1]  }
0x3: {  	s2 =	rddreg [dreg:$0x2]  }
0x4: {  	s3 =	srdreg.scid;
	s5 =	stileid.u32;
	s22 =	simm.s32 $0x3  }
0x5: {  	s23 =	simm.s32 $0x1000;
	s25 =	simm.s32 $0x2200;
	s28 =	simm.s32 $0x3200  }
0x6: {  	s29 =	simm.s32 $0x1;
	s30 =	simm.s32 $0x2;
	s24 =	simm.s32 $0x4000  }
0x7: {  	s26 =	simm.s32 $0x0;
	s4 =	sand.u32 $0x1, s3;
	s3 =	simm.s32 $0x0  }
0x8: {  	s5 =	sshll.u32 s5, $0x7;
	s6 =	sshll.u32 s4, $0x6;
	s4 =	ssub.s32 $0x2, s4  }
0x9: {  	[smem:$0x7FF] =	sst s3;
	s5 =	sor.u32 s6, s5;
	s31 =	sshrl.u32 s4, $0x1  }
0xa: {  	_ =	strace $0x80000047;
	s2 =	sadd.s32 s5, s2;
	s21 =	ssub.s32 s4, s31  }
0xb: {  	s4 =	sadd.s32 s0, s5;
	s5 =	sadd.s32 $0x400, s2;
	s6 =	sadd.s32 $0xC00, s2  }
0xc: {  	s7 =	sadd.s32 $0x1400, s2;
	s8 =	sadd.s32 $0x1C00, s2;
	s9 =	sadd.s32 $0x2400, s2  }
0xd: {  	s10 =	sadd.s32 $0x2C00, s2;
	s11 =	sadd.s32 $0x3400, s2;
	s12 =	sadd.s32 $0x3C00, s2  }
0xe: {  	s13 =	sadd.s32 $0x4400, s2;
	s14 =	sadd.s32 $0x4C00, s2;
	s15 =	sadd.s32 $0x5400, s2  }
0xf: {  	s16 =	sadd.s32 $0x5C00, s2;
	s17 =	sadd.s32 $0x6400, s2;
	s18 =	sadd.s32 $0x6C00, s2  }
0x10: {  	s19 =	sadd.s32 $0x7400, s2;
	s20 =	sadd.s32 $0x7C00, s2;
	s21 =	smax.u32 s21, $0x1  }
.LBB2_1:
0x11: {  	[tilespmem:s3], [sflag:$0x3] =	stream.linear.gather [hbm4b:s4+s3], $0x200, $0x38;
	[tilespmem:$0x4200] =	vst v63  }
0x12: {  	_ =	swait.ge [sflag:s22], $0x200  }
0x13: {  	[sflag:s22] =	ssyncset.done $0x0  }
0x14: {  	s31 =	simm.s32 $0x0;
	[sflag:s22] =	ssyncadd.s32 $0xFFFFFE00  }
0x15: {  	v5 =	vld [tilespmem:s31+$0x0];
	_ =	sdelay $0x4  }
0x16: {  	[tilespmem:s31+$0x200] =	vst v5;
	v0 =	vadd.s32 $0x16E360, v5  }
0x17: {  	v1 =	vadd.s32 $0x155CC0, v5;
	[tilespmem:s31+$0x2000] =	vst v0  }
0x18: {  	v3 =	vadd.s32 $0xAAE60, v5;
	[tilespmem:s31+$0x1E00] =	vst v1  }
0x19: {  	v6 =	vadd.s32 $0x927C0, v5;
	[tilespmem:s31+$0x1000] =	vst v3  }
0x1a: {  	v0 =	vadd.s32 $0x13D620, v5;
	[tilespmem:s31+$0xE00] =	vst v6  }
0x1b: {  	v1 =	vadd.s32 $0x124F80, v5;
	[tilespmem:s31+$0x1C00] =	vst v0  }
0x1c: {  	v0 =	vadd.s32 $0xF4240, v5;
	[tilespmem:s31+$0x1A00] =	vst v1  }
0x1d: {  	v2 =	vadd.s32 $0x30D40, v5;
	v1 =	vadd.s32 $0xDBBA0, v5;
	[tilespmem:s31+$0x1600] =	vst v0  }
0x1e: {  	v4 =	vadd.s32 $0x61A80, v5;
	v3 =	vadd.s32 $0x493E0, v5;
	v0 =	vadd.s32 $0xC3500, v5;
	[tilespmem:s31+$0x1400] =	vst v1  }
0x1f: {  	s0 =	simm.s32 $0x40;
	v1 =	vadd.s32 $0x186A0, v5;
	[tilespmem:s31+$0x1200] =	vst v0;
	v0 =	vadd.s32 $0x10C8E0, v5;
	v5 =	vadd.s32 $0x7A120, v5  }
.LBB2_2:
0x20: {  	s2 =	sshra.s32 s0, $0x2;
	p0 =	sne.s32 s0, $0x7C0;
	s0 =	sadd.s32 $0x40, s0;
	[tilespmem:s31+$0x400] =	vst v1  }
0x21: {  	v6 =	vld [tilespmem:s2+$0x0];
	[tilespmem:s31+$0x600] =	vst v2  }
0x22: {  	[tilespmem:s31+$0x800] =	vst v3  }
0x23: {  	[tilespmem:s31+$0xA00] =	vst v4  }
0x24: {  	[tilespmem:s31+$0xC00] =	vst v5  }
0x25: {  	[tilespmem:s31+$0x1800] =	vst v0;
	s31 =	smov.u32 s2  }
0x26: {  	[tilespmem:s31+$0x200] =	vst v6;
	v1 =	vadd.s32 $0x186A0, v6;
	v0 =	vadd.s32 $0x10C8E0, v6;
	v3 =	vadd.s32 $0x16E360, v6  }
0x27: {  	v2 =	vadd.s32 $0x30D40, v6;
	v7 =	vadd.s32 $0x927C0, v6;
	v4 =	vadd.s32 $0x155CC0, v6;
	[tilespmem:s31+$0x2000] =	vst v3  }
0x28: {  	v8 =	vadd.s32 $0xAAE60, v6;
	v5 =	vadd.s32 $0x13D620, v6;
	v3 =	vadd.s32 $0x493E0, v6;
	[tilespmem:s31+$0x1E00] =	vst v4  }
0x29: {  	v9 =	vadd.s32 $0xC3500, v6;
	v10 =	vadd.s32 $0x124F80, v6;
	v4 =	vadd.s32 $0x61A80, v6;
	[tilespmem:s31+$0x1C00] =	vst v5  }
0x2a: {  	v11 =	vadd.s32 $0xDBBA0, v6;
	v5 =	vadd.s32 $0x7A120, v6;
	v6 =	vadd.s32 $0xF4240, v6;
	[tilespmem:s31+$0x1A00] =	vst v10  }
.Ltmp0:
0x2b: {  	[tilespmem:s31+$0x1600] =	vst v6;
	(pc) =	sbr.rel @p0 .LBB2_2-.Ltmp0, $4  }
0x2c: {  	[tilespmem:s31+$0x1400] =	vst v11  }
0x2d: {  	[tilespmem:s31+$0x1200] =	vst v9  }
0x2e: {  	[tilespmem:s31+$0x1000] =	vst v8  }
0x2f: {  	[tilespmem:s31+$0xE00] =	vst v7  }
0x30: {  	[tilespmem:s31+$0x400] =	vst v1  }
0x31: {  	[tilespmem:s31+$0x600] =	vst v2  }
0x32: {  	[tilespmem:s31+$0x800] =	vst v3  }
0x33: {  	[tilespmem:s31+$0xA00] =	vst v4  }
0x34: {  	[tilespmem:s31+$0xC00] =	vst v5  }
0x35: {  	[tilespmem:s31+$0x1800] =	vst v0;
	s0 =	simm.s32 $0x200  }
0x36: {  	[tilespmem:s25], [sflag:$0x1] =	stream.indirect.gather [hbm4b:s1+s23], $0x1, s0, s23, $0xb8;
	[tilespmem:$0x4200] =	vst v63  }
0x37: {  	s2 =	simm.s32 $0x1200  }
0x38: {  	[tilespmem:s28], [sflag:$0x2] =	stream.indirect.gather [hbm4b:s1+s23], $0x1, s2, s23, $0xb8;
	[tilespmem:$0x4200] =	vst v63  }
0x39: {  	_ =	swait.ge [sflag:s29], $0x1000  }
0x3a: {  	[sflag:s29] =	ssyncset.done $0x0  }
0x3b: {  	[sflag:s29] =	ssyncadd.s32 $0xFFFFF000  }
0x3c: {  	_ =	swait.ge [sflag:s30], $0x1000  }
0x3d: {  	[sflag:s30] =	ssyncset.done $0x0  }
0x3e: {  	[sflag:s30] =	ssyncadd.s32 $0xFFFFF000  }
0x3f: {  	[hbm4b:s5+s3] =	stream.linear.scatter [tilespmem:s25], [sflag:$0x1], $0x200, $0x38;
	[tilespmem:$0x4200] =	vst v63  }
0x40: {  	s31 =	simm.s32 $0x2400  }
0x41: {  	[hbm4b:s6+s3] =	stream.linear.scatter [tilespmem:s31], [sflag:$0x2], $0x200, $0x38;
	[tilespmem:$0x4200] =	vst v63  }
0x42: {  	s2 =	simm.s32 $0x2600  }
0x43: {  	[hbm4b:s7+s3] =	stream.linear.scatter [tilespmem:s2], [sflag:$0x1], $0x200, $0x38;
	[tilespmem:$0x4200] =	vst v63  }
0x44: {  	s31 =	simm.s32 $0x2800  }
0x45: {  	[hbm4b:s8+s3] =	stream.linear.scatter [tilespmem:s31], [sflag:$0x2], $0x200, $0x38;
	[tilespmem:$0x4200] =	vst v63  }
0x46: {  	s2 =	simm.s32 $0x2A00  }
0x47: {  	[hbm4b:s9+s3] =	stream.linear.scatter [tilespmem:s2], [sflag:$0x1], $0x200, $0x38;
	[tilespmem:$0x4200] =	vst v63  }
0x48: {  	s31 =	simm.s32 $0x2C00  }
0x49: {  	[hbm4b:s10+s3] =	stream.linear.scatter [tilespmem:s31], [sflag:$0x2], $0x200, $0x38;
	[tilespmem:$0x4200] =	vst v63  }
0x4a: {  	s2 =	simm.s32 $0x2E00  }
0x4b: {  	[hbm4b:s11+s3] =	stream.linear.scatter [tilespmem:s2], [sflag:$0x1], $0x200, $0x38;
	[tilespmem:$0x4200] =	vst v63  }
0x4c: {  	s31 =	simm.s32 $0x3000  }
0x4d: {  	[hbm4b:s12+s3] =	stream.linear.scatter [tilespmem:s31], [sflag:$0x2], $0x200, $0x38;
	[tilespmem:$0x4200] =	vst v63  }
0x4e: {  	_ = 	snop  }
0x4f: {  	[hbm4b:s13+s3] =	stream.linear.scatter [tilespmem:s28], [sflag:$0x1], $0x200, $0x38;
	[tilespmem:$0x4200] =	vst v63  }
0x50: {  	s2 =	simm.s32 $0x3400  }
0x51: {  	[hbm4b:s14+s3] =	stream.linear.scatter [tilespmem:s2], [sflag:$0x2], $0x200, $0x38;
	[tilespmem:$0x4200] =	vst v63  }
0x52: {  	s31 =	simm.s32 $0x3600  }
0x53: {  	[hbm4b:s15+s3] =	stream.linear.scatter [tilespmem:s31], [sflag:$0x1], $0x200, $0x38;
	[tilespmem:$0x4200] =	vst v63  }
0x54: {  	s2 =	simm.s32 $0x3800  }
0x55: {  	[hbm4b:s16+s3] =	stream.linear.scatter [tilespmem:s2], [sflag:$0x2], $0x200, $0x38;
	[tilespmem:$0x4200] =	vst v63  }
0x56: {  	s31 =	simm.s32 $0x3A00  }
0x57: {  	[hbm4b:s17+s3] =	stream.linear.scatter [tilespmem:s31], [sflag:$0x1], $0x200, $0x38;
	[tilespmem:$0x4200] =	vst v63  }
0x58: {  	s2 =	simm.s32 $0x3C00  }
0x59: {  	[hbm4b:s18+s3] =	stream.linear.scatter [tilespmem:s2], [sflag:$0x2], $0x200, $0x38;
	[tilespmem:$0x4200] =	vst v63  }
0x5a: {  	s31 =	simm.s32 $0x3E00  }
0x5b: {  	[hbm4b:s19+s3] =	stream.linear.scatter [tilespmem:s31], [sflag:$0x1], $0x200, $0x38;
	[tilespmem:$0x4200] =	vst v63  }
0x5c: {  	_ = 	snop  }
0x5d: {  	[hbm4b:s20+s3] =	stream.linear.scatter [tilespmem:s24], [sflag:$0x2], $0x200, $0x38;
	[tilespmem:$0x4200] =	vst v63  }
0x5e: {  	_ =	swait.ge [sflag:s29], $0x200  }
0x5f: {  	[sflag:s29] =	ssyncset.done $0x0  }
0x60: {  	[sflag:s29] =	ssyncadd.s32 $0xFFFFFE00  }
0x61: {  	_ =	swait.ge [sflag:s30], $0x200  }
0x62: {  	[sflag:s30] =	ssyncset.done $0x0  }
0x63: {  	[sflag:s30] =	ssyncadd.s32 $0xFFFFFE00  }
0x64: {  	_ =	swait.ge [sflag:s29], $0x200  }
0x65: {  	[sflag:s29] =	ssyncset.done $0x0  }
0x66: {  	[sflag:s29] =	ssyncadd.s32 $0xFFFFFE00  }
0x67: {  	_ =	swait.ge [sflag:s30], $0x200  }
0x68: {  	[sflag:s30] =	ssyncset.done $0x0  }
0x69: {  	[sflag:s30] =	ssyncadd.s32 $0xFFFFFE00  }
0x6a: {  	_ =	swait.ge [sflag:s29], $0x200  }
0x6b: {  	[sflag:s29] =	ssyncset.done $0x0  }
0x6c: {  	[sflag:s29] =	ssyncadd.s32 $0xFFFFFE00  }
0x6d: {  	_ =	swait.ge [sflag:s30], $0x200  }
0x6e: {  	[sflag:s30] =	ssyncset.done $0x0  }
0x6f: {  	[sflag:s30] =	ssyncadd.s32 $0xFFFFFE00  }
0x70: {  	_ =	swait.ge [sflag:s29], $0x200  }
0x71: {  	[sflag:s29] =	ssyncset.done $0x0  }
0x72: {  	[sflag:s29] =	ssyncadd.s32 $0xFFFFFE00  }
0x73: {  	_ =	swait.ge [sflag:s30], $0x200  }
0x74: {  	[sflag:s30] =	ssyncset.done $0x0  }
0x75: {  	[sflag:s30] =	ssyncadd.s32 $0xFFFFFE00  }
0x76: {  	_ =	swait.ge [sflag:s29], $0x200  }
0x77: {  	[sflag:s29] =	ssyncset.done $0x0  }
0x78: {  	[sflag:s29] =	ssyncadd.s32 $0xFFFFFE00  }
0x79: {  	_ =	swait.ge [sflag:s30], $0x200  }
0x7a: {  	[sflag:s30] =	ssyncset.done $0x0  }
0x7b: {  	[sflag:s30] =	ssyncadd.s32 $0xFFFFFE00  }
0x7c: {  	_ =	swait.ge [sflag:s29], $0x200  }
0x7d: {  	[sflag:s29] =	ssyncset.done $0x0  }
0x7e: {  	[sflag:s29] =	ssyncadd.s32 $0xFFFFFE00  }
0x7f: {  	_ =	swait.ge [sflag:s30], $0x200  }
0x80: {  	[sflag:s30] =	ssyncset.done $0x0  }
0x81: {  	[sflag:s30] =	ssyncadd.s32 $0xFFFFFE00  }
0x82: {  	_ =	swait.ge [sflag:s29], $0x200  }
0x83: {  	[sflag:s29] =	ssyncset.done $0x0  }
0x84: {  	[sflag:s29] =	ssyncadd.s32 $0xFFFFFE00  }
0x85: {  	_ =	swait.ge [sflag:s30], $0x200  }
0x86: {  	[sflag:s30] =	ssyncset.done $0x0  }
0x87: {  	s26 =	sadd.s32 $0x1, s26;
	[sflag:s30] =	ssyncadd.s32 $0xFFFFFE00  }
0x88: {  	p0 =	sne.s32 s26, s21;
	_ =	swait.ge [sflag:s29], $0x200  }
.Ltmp1:
0x89: {  	[sflag:s29] =	ssyncset.done $0x0;
	(pc) =	sbr.rel @p0 .LBB2_1-.Ltmp1, $4  }
0x8a: {  	[sflag:s29] =	ssyncadd.s32 $0xFFFFFE00  }
0x8b: {  	_ =	swait.ge [sflag:s30], $0x200  }
0x8c: {  	[sflag:s30] =	ssyncset.done $0x0  }
0x8d: {  	[sflag:s30] =	ssyncadd.s32 $0xFFFFFE00  }
0x8e: {  	_ =	sfence.sel $0x180000  }
0x8f: {  	[bflag:$0x0] =	sbarrier.arrive $0xFFFF  }
0x90: {  	_ =	strace $0x90000047  }
0x91: {  	s0 =	stileid.u32;
	[bflag:$0x2] =	sbarrier.arrive $0xFFFF  }
0x92: {  	p0 =	sne.s32 s0, $0x0;
	s0 =	rddreg [dreg:$0x3]  }
0x93: {  	s0 =	sadd.s32 @!p0 $0x100000, s0  }
0x94: {  	[sflag:s0] =	ssyncadd.tile.s32 @!p0 $0x1;
	_ =	shalt  }
.Lfunc_end2:
_tile_overlayer_lowered:
.L_overlay_start_2:
0x95: {  	(tag) =	ssettag $0x2  }
0x96: {  	s0 =	rddreg [dreg:$0x0];
	s2 =	stileid.u32  }
0x97: {  	s1 =	rddreg [dreg:$0x1];
	p0 =	sne.s32 s2, $0x0  }
0x98: {  	s3 =	rddreg [dreg:$0x2];
	[bflag:$0x3] =	sbarrier.arrive $0xFFFF;
	s2 =	simm.s32 @!p0 $0x1C03  }
0x99: {  	[timem:s3], [sflag:s2] =	dma.local @!p0 [hbm:s0], s1  }
0x9a: {  	s0 =	simm.s32 @!p0 $0x3  }
0x9b: {  	_ =	swait.ge @!p0 [sflag:s0], s1  }
0x9c: {  	s1 =	ssub.s32 @!p0 $0x0, s1;
	[sflag:s0] =	ssyncset.done @!p0 $0x0  }
0x9d: {  	[sflag:s0] =	ssyncadd.s32 @!p0 s1  }
0x9e: {  	[bflag:$0x3] =	sbarrier.arrive $0xFFFF  }
0x9f: {  	_ =	shalt  }

</sc_bundles>
